<compile_context>
chip_gen: v7x
topology: tpu7x:2x2x1
jax: 0.10.2.dev20260603
libtpu: 0.0.44.dev20260713+nightly
codegen_flags: <defaults>
</compile_context>

<pallas_src>
import functools

import jax
import jax.numpy as jnp
from jax import lax
from jax.experimental import pallas as pl
from jax.experimental.pallas import tpu as pltpu
from jax.experimental.pallas import tpu_sc as plsc

_NC = 2
_NS = 16
_NW = _NC * _NS

_NB = 4
_CH = 256


@jax.jit
def _sc_gather(table, ids):
    n_chunks_total, ch = ids.shape
    n = n_chunks_total * ch
    d = table.shape[1]
    per = n // _NW
    n_chunks = per // ch
    n_blocks = n_chunks // _NB
    mesh = plsc.VectorSubcoreMesh(core_axis_name="c", subcore_axis_name="s")

    @functools.partial(
        pl.kernel,
        out_type=jax.ShapeDtypeStruct((n, d), jnp.float32),
        mesh=mesh,
        scratch_types=[
            pltpu.VMEM((n_chunks, ch), jnp.int32),
            pltpu.VMEM((_NB, ch, d), jnp.float32),
            pltpu.SemaphoreType.DMA((_NB,)),
            pltpu.SemaphoreType.DMA((_NB,)),
        ],
        compiler_params=pltpu.CompilerParams(use_tc_tiling_on_sc=False),
    )
    def k(table_hbm, ids_hbm, out_hbm, idx_v, rows_v, sem_g, sem_w):
        wid = lax.axis_index("s") * _NC + lax.axis_index("c")
        row0 = wid * per

        pltpu.sync_copy(ids_hbm.at[pl.ds(wid * n_chunks, n_chunks)], idx_v)

        def start_gather(c, slot):
            pltpu.async_copy(table_hbm.at[idx_v.at[c]], rows_v.at[slot],
                             sem_g.at[slot])

        def wait_gather(c, slot):
            pltpu.make_async_copy(table_hbm.at[idx_v.at[c]], rows_v.at[slot],
                                  sem_g.at[slot]).wait()

        def start_write(c, slot):
            pltpu.async_copy(rows_v.at[slot],
                             out_hbm.at[pl.ds(row0 + c * ch, ch)],
                             sem_w.at[slot])

        def wait_write(c, slot):
            pltpu.make_async_copy(rows_v.at[slot],
                                  out_hbm.at[pl.ds(row0 + c * ch, ch)],
                                  sem_w.at[slot]).wait()

        for s in range(_NB):
            start_gather(s, s)
        for s in range(_NB):
            wait_gather(s, s)
            start_write(s, s)

        def block_body(bidx, carry):
            c0 = bidx * _NB
            for s in range(_NB):
                wait_write(c0 - _NB + s, s)
                start_gather(c0 + s, s)
            for s in range(_NB):
                wait_gather(c0 + s, s)
                start_write(c0 + s, s)
            return carry

        lax.fori_loop(1, n_blocks, block_body, 0)

        c0 = (n_blocks - 1) * _NB
        for s in range(_NB):
            wait_write(c0 + s, s)

    return k(table, ids)


def kernel(token_ids, W):
    t, p = token_ids.shape
    ids = token_ids.astype(jnp.int32).reshape(-1, _CH)
    out = _sc_gather(W, ids)
    return out.reshape(t, p, W.shape[1])

# --- scband reference (transcript-rebuilt; emitter-appended) ---
"""Pipeline reference for scband-embedding-model-80015240724918 (READ-ONLY COPY).

The authoritative reference and input builder live on the scoring server;
editing this copy changes nothing except your own understanding.
"""

import jax, jax.numpy as jnp
import numpy as np
from math import sqrt

NUM_EMBEDDINGS = 1000000
EMBED_DIM = 64

def setup_inputs(seed: int = 0) -> dict:
    key = jax.random.key(seed)
    k1, k2 = jax.random.split(key)
    token_ids = jax.random.randint(k1, (16384, 100), 0, NUM_EMBEDDINGS, dtype=jnp.int64 if jax.config.jax_enable_x64 else jnp.int32)
    std = sqrt(2) / (NUM_EMBEDDINGS + EMBED_DIM)
    # truncated normal in [-3*std, 3*std]
    W = jax.random.truncated_normal(k2, -3.0, 3.0, (NUM_EMBEDDINGS, EMBED_DIM), dtype=jnp.float32) * std
    return {"token_ids": token_ids, "W": W}

def reference(token_ids, W):
    # Faithful translation of forward: return self.W[token_ids]
    return jnp.take(W, token_ids, axis=0)

if __name__ == "__main__":
    import jax
    _d = setup_inputs()
    print(jax.jit(kernel)(*tuple(_d.values())))

</pallas_src>

<mosaic_0001>
#map = affine_map<(d0, d1) -> (0, 0)>
module attributes {stable_mosaic.version = 14 : i64} {
  func.func @k(%arg0: i32, %arg1: i32, %arg2: memref<1000000x64xf32, #tpu.memory_space<hbm>>, %arg3: memref<6400x256xi32, #tpu.memory_space<hbm>>, %arg4: memref<1638400x64xf32, #tpu.memory_space<hbm>>, %arg5: memref<200x256xi32, #tpu.memory_space<vmem>>, %arg6: memref<4x256x64xf32, #tpu.memory_space<vmem>>, %arg7: memref<4x!tpu.dma_semaphore, #tpu.memory_space<semaphore_mem>>, %arg8: memref<4x!tpu.dma_semaphore, #tpu.memory_space<semaphore_mem>>) attributes {dimension_semantics = [#tpu.dimension_semantics<core_parallel>, #tpu.dimension_semantics<subcore_parallel>], iteration_bounds = array<i64: 2, 16>, scalar_prefetch = 0 : i64, scratch_operands = 4 : i64, tpu.core_type = #tpu.core_type<sc_vector_subcore>, window_params = [{transform_indices = #map}, {transform_indices = #map}, {transform_indices = #map}]} {
    %mul3A = arith.constant 2 : i32
    %mul3A_0 = arith.muli %arg1, %mul3A : i32
    %add3A = arith.addi %mul3A_0, %arg0 : i32
    %mul3A_1 = arith.constant 51200 : i32
    %mul3A_2 = arith.muli %add3A, %mul3A_1 : i32
    %mul3A_3 = arith.constant 200 : i32
    %mul3A_4 = arith.muli %add3A, %mul3A_3 : i32
    "tpu.region"() ({
      %run_scoped3A = tpu.sem_alloc : memref<!tpu.dma_semaphore, #tpu.memory_space<semaphore_mem>>
      %dma_start3A_272 = arith.constant 0 : i32
      %dma_start3A_273 = tpu.memref_slice %arg3[%mul3A_4, %dma_start3A_272] : memref<6400x256xi32, #tpu.memory_space<hbm>> -> memref<200x256xi32, #tpu.memory_space<hbm>>
      %dma_start3A_274 = arith.constant 0 : i32
      %dma_start3A_275 = tpu.memref_slice %arg3[%mul3A_4, %dma_start3A_274] : memref<6400x256xi32, #tpu.memory_space<hbm>> -> memref<200x256xi32, #tpu.memory_space<hbm>>
      tpu.enqueue_dma source(%dma_start3A_275 : memref<200x256xi32, #tpu.memory_space<hbm>>) target(%arg5 : memref<200x256xi32, #tpu.memory_space<vmem>>) target_semaphore(%run_scoped3A : memref<!tpu.dma_semaphore, #tpu.memory_space<semaphore_mem>>)
      %dma_wait3A_276 = arith.constant 0 : i32
      %dma_wait3A_277 = tpu.memref_slice %arg3[%mul3A_4, %dma_wait3A_276] : memref<6400x256xi32, #tpu.memory_space<hbm>> -> memref<200x256xi32, #tpu.memory_space<hbm>>
      %dma_wait3A_278 = arith.constant 0 : i32
      %dma_wait3A_279 = tpu.memref_slice %arg3[%mul3A_4, %dma_wait3A_278] : memref<6400x256xi32, #tpu.memory_space<hbm>> -> memref<200x256xi32, #tpu.memory_space<hbm>>
      tpu.wait_dma2 semaphore(%run_scoped3A : memref<!tpu.dma_semaphore, #tpu.memory_space<semaphore_mem>>) src(%dma_wait3A_279 : memref<200x256xi32, #tpu.memory_space<hbm>>) dst(%arg5 : memref<200x256xi32, #tpu.memory_space<vmem>>)
      tpu.yield
    }) : () -> ()
    %dma_start3A = arith.constant 0 : i32
    %dma_start3A_5 = arith.constant 0 : i32
    %dma_start3A_6 = arith.constant 0 : i32
    %dma_start3A_7 = arith.constant 0 : i32
    %dma_start3A_8 = arith.constant 0 : i32
    %dma_start3A_9 = tpu.memref_slice %arg6[%dma_start3A_5, %dma_start3A_7, %dma_start3A_8] : memref<4x256x64xf32, #tpu.memory_space<vmem>> -> memref<1x256x64xf32, #tpu.memory_space<vmem>>
    %dma_start3A_10 = tpu.memref_squeeze %dma_start3A_9 : memref<1x256x64xf32, #tpu.memory_space<vmem>> -> memref<256x64xf32, #tpu.memory_space<vmem>>
    %dma_start3A_11 = arith.constant 0 : i32
    %dma_start3A_12 = tpu.memref_slice %arg5[%dma_start3A, %dma_start3A_11] : memref<200x256xi32, #tpu.memory_space<vmem>> -> memref<1x256xi32, #tpu.memory_space<vmem>>
    %dma_start3A_13 = tpu.memref_squeeze %dma_start3A_12 : memref<1x256xi32, #tpu.memory_space<vmem>> -> memref<256xi32, #tpu.memory_space<vmem>>
    %dma_start3A_14 = arith.constant 0 : i32
    %dma_start3A_15 = arith.constant 0 : i32
    %dma_start3A_16 = tpu.memref_slice %arg2[%dma_start3A_14, %dma_start3A_15] : memref<1000000x64xf32, #tpu.memory_space<hbm>> -> memref<1000000x64xf32, #tpu.memory_space<hbm>>
    %dma_start3A_17 = tpu.memref_slice %arg7[%dma_start3A_6] : memref<4x!tpu.dma_semaphore, #tpu.memory_space<semaphore_mem>> -> memref<1x!tpu.dma_semaphore, #tpu.memory_space<semaphore_mem>>
    %dma_start3A_18 = tpu.memref_squeeze %dma_start3A_17 : memref<1x!tpu.dma_semaphore, #tpu.memory_space<semaphore_mem>> -> memref<!tpu.dma_semaphore, #tpu.memory_space<semaphore_mem>>
    tpu.enqueue_indirect_dma source(%dma_start3A_16 : memref<1000000x64xf32, #tpu.memory_space<hbm>>) target(%dma_start3A_10 : memref<256x64xf32, #tpu.memory_space<vmem>>) offsets(%dma_start3A_13 : memref<256xi32, #tpu.memory_space<vmem>>) semaphore(%dma_start3A_18 : memref<!tpu.dma_semaphore, #tpu.memory_space<semaphore_mem>>)
    %dma_start3A_19 = arith.constant 1 : i32
    %dma_start3A_20 = arith.constant 1 : i32
    %dma_start3A_21 = arith.constant 1 : i32
    %dma_start3A_22 = arith.constant 0 : i32
    %dma_start3A_23 = arith.constant 0 : i32
    %dma_start3A_24 = tpu.memref_slice %arg6[%dma_start3A_20, %dma_start3A_22, %dma_start3A_23] : memref<4x256x64xf32, #tpu.memory_space<vmem>> -> memref<1x256x64xf32, #tpu.memory_space<vmem>>
    %dma_start3A_25 = tpu.memref_squeeze %dma_start3A_24 : memref<1x256x64xf32, #tpu.memory_space<vmem>> -> memref<256x64xf32, #tpu.memory_space<vmem>>
    %dma_start3A_26 = arith.constant 0 : i32
    %dma_start3A_27 = tpu.memref_slice %arg5[%dma_start3A_19, %dma_start3A_26] : memref<200x256xi32, #tpu.memory_space<vmem>> -> memref<1x256xi32, #tpu.memory_space<vmem>>
    %dma_start3A_28 = tpu.memref_squeeze %dma_start3A_27 : memref<1x256xi32, #tpu.memory_space<vmem>> -> memref<256xi32, #tpu.memory_space<vmem>>
    %dma_start3A_29 = arith.constant 0 : i32
    %dma_start3A_30 = arith.constant 0 : i32
    %dma_start3A_31 = tpu.memref_slice %arg2[%dma_start3A_29, %dma_start3A_30] : memref<1000000x64xf32, #tpu.memory_space<hbm>> -> memref<1000000x64xf32, #tpu.memory_space<hbm>>
    %dma_start3A_32 = tpu.memref_slice %arg7[%dma_start3A_21] : memref<4x!tpu.dma_semaphore, #tpu.memory_space<semaphore_mem>> -> memref<1x!tpu.dma_semaphore, #tpu.memory_space<semaphore_mem>>
    %dma_start3A_33 = tpu.memref_squeeze %dma_start3A_32 : memref<1x!tpu.dma_semaphore, #tpu.memory_space<semaphore_mem>> -> memref<!tpu.dma_semaphore, #tpu.memory_space<semaphore_mem>>
    tpu.enqueue_indirect_dma source(%dma_start3A_31 : memref<1000000x64xf32, #tpu.memory_space<hbm>>) target(%dma_start3A_25 : memref<256x64xf32, #tpu.memory_space<vmem>>) offsets(%dma_start3A_28 : memref<256xi32, #tpu.memory_space<vmem>>) semaphore(%dma_start3A_33 : memref<!tpu.dma_semaphore, #tpu.memory_space<semaphore_mem>>)
    %dma_start3A_34 = arith.constant 2 : i32
    %dma_start3A_35 = arith.constant 2 : i32
    %dma_start3A_36 = arith.constant 2 : i32
    %dma_start3A_37 = arith.constant 0 : i32
    %dma_start3A_38 = arith.constant 0 : i32
    %dma_start3A_39 = tpu.memref_slice %arg6[%dma_start3A_35, %dma_start3A_37, %dma_start3A_38] : memref<4x256x64xf32, #tpu.memory_space<vmem>> -> memref<1x256x64xf32, #tpu.memory_space<vmem>>
    %dma_start3A_40 = tpu.memref_squeeze %dma_start3A_39 : memref<1x256x64xf32, #tpu.memory_space<vmem>> -> memref<256x64xf32, #tpu.memory_space<vmem>>
    %dma_start3A_41 = arith.constant 0 : i32
    %dma_start3A_42 = tpu.memref_slice %arg5[%dma_start3A_34, %dma_start3A_41] : memref<200x256xi32, #tpu.memory_space<vmem>> -> memref<1x256xi32, #tpu.memory_space<vmem>>
    %dma_start3A_43 = tpu.memref_squeeze %dma_start3A_42 : memref<1x256xi32, #tpu.memory_space<vmem>> -> memref<256xi32, #tpu.memory_space<vmem>>
    %dma_start3A_44 = arith.constant 0 : i32
    %dma_start3A_45 = arith.constant 0 : i32
    %dma_start3A_46 = tpu.memref_slice %arg2[%dma_start3A_44, %dma_start3A_45] : memref<1000000x64xf32, #tpu.memory_space<hbm>> -> memref<1000000x64xf32, #tpu.memory_space<hbm>>
    %dma_start3A_47 = tpu.memref_slice %arg7[%dma_start3A_36] : memref<4x!tpu.dma_semaphore, #tpu.memory_space<semaphore_mem>> -> memref<1x!tpu.dma_semaphore, #tpu.memory_space<semaphore_mem>>
    %dma_start3A_48 = tpu.memref_squeeze %dma_start3A_47 : memref<1x!tpu.dma_semaphore, #tpu.memory_space<semaphore_mem>> -> memref<!tpu.dma_semaphore, #tpu.memory_space<semaphore_mem>>
    tpu.enqueue_indirect_dma source(%dma_start3A_46 : memref<1000000x64xf32, #tpu.memory_space<hbm>>) target(%dma_start3A_40 : memref<256x64xf32, #tpu.memory_space<vmem>>) offsets(%dma_start3A_43 : memref<256xi32, #tpu.memory_space<vmem>>) semaphore(%dma_start3A_48 : memref<!tpu.dma_semaphore, #tpu.memory_space<semaphore_mem>>)
    %dma_start3A_49 = arith.constant 3 : i32
    %dma_start3A_50 = arith.constant 3 : i32
    %dma_start3A_51 = arith.constant 3 : i32
    %dma_start3A_52 = arith.constant 0 : i32
    %dma_start3A_53 = arith.constant 0 : i32
    %dma_start3A_54 = tpu.memref_slice %arg6[%dma_start3A_50, %dma_start3A_52, %dma_start3A_53] : memref<4x256x64xf32, #tpu.memory_space<vmem>> -> memref<1x256x64xf32, #tpu.memory_space<vmem>>
    %dma_start3A_55 = tpu.memref_squeeze %dma_start3A_54 : memref<1x256x64xf32, #tpu.memory_space<vmem>> -> memref<256x64xf32, #tpu.memory_space<vmem>>
    %dma_start3A_56 = arith.constant 0 : i32
    %dma_start3A_57 = tpu.memref_slice %arg5[%dma_start3A_49, %dma_start3A_56] : memref<200x256xi32, #tpu.memory_space<vmem>> -> memref<1x256xi32, #tpu.memory_space<vmem>>
    %dma_start3A_58 = tpu.memref_squeeze %dma_start3A_57 : memref<1x256xi32, #tpu.memory_space<vmem>> -> memref<256xi32, #tpu.memory_space<vmem>>
    %dma_start3A_59 = arith.constant 0 : i32
    %dma_start3A_60 = arith.constant 0 : i32
    %dma_start3A_61 = tpu.memref_slice %arg2[%dma_start3A_59, %dma_start3A_60] : memref<1000000x64xf32, #tpu.memory_space<hbm>> -> memref<1000000x64xf32, #tpu.memory_space<hbm>>
    %dma_start3A_62 = tpu.memref_slice %arg7[%dma_start3A_51] : memref<4x!tpu.dma_semaphore, #tpu.memory_space<semaphore_mem>> -> memref<1x!tpu.dma_semaphore, #tpu.memory_space<semaphore_mem>>
    %dma_start3A_63 = tpu.memref_squeeze %dma_start3A_62 : memref<1x!tpu.dma_semaphore, #tpu.memory_space<semaphore_mem>> -> memref<!tpu.dma_semaphore, #tpu.memory_space<semaphore_mem>>
    tpu.enqueue_indirect_dma source(%dma_start3A_61 : memref<1000000x64xf32, #tpu.memory_space<hbm>>) target(%dma_start3A_55 : memref<256x64xf32, #tpu.memory_space<vmem>>) offsets(%dma_start3A_58 : memref<256xi32, #tpu.memory_space<vmem>>) semaphore(%dma_start3A_63 : memref<!tpu.dma_semaphore, #tpu.memory_space<semaphore_mem>>)
    %dma_wait3A = arith.constant 0 : i32
    %dma_wait3A_64 = arith.constant 0 : i32
    %dma_wait3A_65 = arith.constant 0 : i32
    %dma_wait3A_66 = arith.constant 0 : i32
    %dma_wait3A_67 = arith.constant 0 : i32
    %dma_wait3A_68 = tpu.memref_slice %arg6[%dma_wait3A_64, %dma_wait3A_66, %dma_wait3A_67] : memref<4x256x64xf32, #tpu.memory_space<vmem>> -> memref<1x256x64xf32, #tpu.memory_space<vmem>>
    %dma_wait3A_69 = tpu.memref_squeeze %dma_wait3A_68 : memref<1x256x64xf32, #tpu.memory_space<vmem>> -> memref<256x64xf32, #tpu.memory_space<vmem>>
    %dma_wait3A_70 = arith.constant 0 : i32
    %dma_wait3A_71 = tpu.memref_slice %arg5[%dma_wait3A, %dma_wait3A_70] : memref<200x256xi32, #tpu.memory_space<vmem>> -> memref<1x256xi32, #tpu.memory_space<vmem>>
    %dma_wait3A_72 = tpu.memref_squeeze %dma_wait3A_71 : memref<1x256xi32, #tpu.memory_space<vmem>> -> memref<256xi32, #tpu.memory_space<vmem>>
    %dma_wait3A_73 = arith.constant 0 : i32
    %dma_wait3A_74 = arith.constant 0 : i32
    %dma_wait3A_75 = tpu.memref_slice %arg2[%dma_wait3A_73, %dma_wait3A_74] : memref<1000000x64xf32, #tpu.memory_space<hbm>> -> memref<1000000x64xf32, #tpu.memory_space<hbm>>
    %dma_wait3A_76 = tpu.memref_slice %arg7[%dma_wait3A_65] : memref<4x!tpu.dma_semaphore, #tpu.memory_space<semaphore_mem>> -> memref<1x!tpu.dma_semaphore, #tpu.memory_space<semaphore_mem>>
    %dma_wait3A_77 = tpu.memref_squeeze %dma_wait3A_76 : memref<1x!tpu.dma_semaphore, #tpu.memory_space<semaphore_mem>> -> memref<!tpu.dma_semaphore, #tpu.memory_space<semaphore_mem>>
    tpu.wait_indirect_dma semaphore(%dma_wait3A_77 : memref<!tpu.dma_semaphore, #tpu.memory_space<semaphore_mem>>) src(%dma_wait3A_75 : memref<1000000x64xf32, #tpu.memory_space<hbm>>) dst(%dma_wait3A_69 : memref<256x64xf32, #tpu.memory_space<vmem>>)
    %add3A_78 = arith.constant 0 : i32
    %add3A_79 = arith.addi %mul3A_2, %add3A_78 : i32
    %dma_start3A_80 = arith.constant 0 : i32
    %dma_start3A_81 = arith.constant 0 : i32
    %dma_start3A_82 = arith.constant 0 : i32
    %dma_start3A_83 = arith.constant 0 : i32
    %dma_start3A_84 = tpu.memref_slice %arg6[%dma_start3A_80, %dma_start3A_82, %dma_start3A_83] : memref<4x256x64xf32, #tpu.memory_space<vmem>> -> memref<1x256x64xf32, #tpu.memory_space<vmem>>
    %dma_start3A_85 = tpu.memref_squeeze %dma_start3A_84 : memref<1x256x64xf32, #tpu.memory_space<vmem>> -> memref<256x64xf32, #tpu.memory_space<vmem>>
    %dma_start3A_86 = arith.constant 0 : i32
    %dma_start3A_87 = tpu.memref_slice %arg4[%add3A_79, %dma_start3A_86] : memref<1638400x64xf32, #tpu.memory_space<hbm>> -> memref<256x64xf32, #tpu.memory_space<hbm>>
    %dma_start3A_88 = tpu.memref_slice %arg8[%dma_start3A_81] : memref<4x!tpu.dma_semaphore, #tpu.memory_space<semaphore_mem>> -> memref<1x!tpu.dma_semaphore, #tpu.memory_space<semaphore_mem>>
    %dma_start3A_89 = tpu.memref_squeeze %dma_start3A_88 : memref<1x!tpu.dma_semaphore, #tpu.memory_space<semaphore_mem>> -> memref<!tpu.dma_semaphore, #tpu.memory_space<semaphore_mem>>
    %dma_start3A_90 = arith.constant 0 : i32
    %dma_start3A_91 = tpu.memref_slice %arg4[%add3A_79, %dma_start3A_90] : memref<1638400x64xf32, #tpu.memory_space<hbm>> -> memref<256x64xf32, #tpu.memory_space<hbm>>
    %dma_start3A_92 = arith.constant 0 : i32
    %dma_start3A_93 = arith.constant 0 : i32
    %dma_start3A_94 = tpu.memref_slice %arg6[%dma_start3A_80, %dma_start3A_92, %dma_start3A_93] : memref<4x256x64xf32, #tpu.memory_space<vmem>> -> memref<1x256x64xf32, #tpu.memory_space<vmem>>
    %dma_start3A_95 = tpu.memref_squeeze %dma_start3A_94 : memref<1x256x64xf32, #tpu.memory_space<vmem>> -> memref<256x64xf32, #tpu.memory_space<vmem>>
    tpu.enqueue_dma source(%dma_start3A_95 : memref<256x64xf32, #tpu.memory_space<vmem>>) target(%dma_start3A_91 : memref<256x64xf32, #tpu.memory_space<hbm>>) target_semaphore(%dma_start3A_89 : memref<!tpu.dma_semaphore, #tpu.memory_space<semaphore_mem>>)
    %dma_wait3A_96 = arith.constant 1 : i32
    %dma_wait3A_97 = arith.constant 1 : i32
    %dma_wait3A_98 = arith.constant 1 : i32
    %dma_wait3A_99 = arith.constant 0 : i32
    %dma_wait3A_100 = arith.constant 0 : i32
    %dma_wait3A_101 = tpu.memref_slice %arg6[%dma_wait3A_97, %dma_wait3A_99, %dma_wait3A_100] : memref<4x256x64xf32, #tpu.memory_space<vmem>> -> memref<1x256x64xf32, #tpu.memory_space<vmem>>
    %dma_wait3A_102 = tpu.memref_squeeze %dma_wait3A_101 : memref<1x256x64xf32, #tpu.memory_space<vmem>> -> memref<256x64xf32, #tpu.memory_space<vmem>>
    %dma_wait3A_103 = arith.constant 0 : i32
    %dma_wait3A_104 = tpu.memref_slice %arg5[%dma_wait3A_96, %dma_wait3A_103] : memref<200x256xi32, #tpu.memory_space<vmem>> -> memref<1x256xi32, #tpu.memory_space<vmem>>
    %dma_wait3A_105 = tpu.memref_squeeze %dma_wait3A_104 : memref<1x256xi32, #tpu.memory_space<vmem>> -> memref<256xi32, #tpu.memory_space<vmem>>
    %dma_wait3A_106 = arith.constant 0 : i32
    %dma_wait3A_107 = arith.constant 0 : i32
    %dma_wait3A_108 = tpu.memref_slice %arg2[%dma_wait3A_106, %dma_wait3A_107] : memref<1000000x64xf32, #tpu.memory_space<hbm>> -> memref<1000000x64xf32, #tpu.memory_space<hbm>>
    %dma_wait3A_109 = tpu.memref_slice %arg7[%dma_wait3A_98] : memref<4x!tpu.dma_semaphore, #tpu.memory_space<semaphore_mem>> -> memref<1x!tpu.dma_semaphore, #tpu.memory_space<semaphore_mem>>
    %dma_wait3A_110 = tpu.memref_squeeze %dma_wait3A_109 : memref<1x!tpu.dma_semaphore, #tpu.memory_space<semaphore_mem>> -> memref<!tpu.dma_semaphore, #tpu.memory_space<semaphore_mem>>
    tpu.wait_indirect_dma semaphore(%dma_wait3A_110 : memref<!tpu.dma_semaphore, #tpu.memory_space<semaphore_mem>>) src(%dma_wait3A_108 : memref<1000000x64xf32, #tpu.memory_space<hbm>>) dst(%dma_wait3A_102 : memref<256x64xf32, #tpu.memory_space<vmem>>)
    %add3A_111 = arith.constant 256 : i32
    %add3A_112 = arith.addi %mul3A_2, %add3A_111 : i32
    %dma_start3A_113 = arith.constant 1 : i32
    %dma_start3A_114 = arith.constant 1 : i32
    %dma_start3A_115 = arith.constant 0 : i32
    %dma_start3A_116 = arith.constant 0 : i32
    %dma_start3A_117 = tpu.memref_slice %arg6[%dma_start3A_113, %dma_start3A_115, %dma_start3A_116] : memref<4x256x64xf32, #tpu.memory_space<vmem>> -> memref<1x256x64xf32, #tpu.memory_space<vmem>>
    %dma_start3A_118 = tpu.memref_squeeze %dma_start3A_117 : memref<1x256x64xf32, #tpu.memory_space<vmem>> -> memref<256x64xf32, #tpu.memory_space<vmem>>
    %dma_start3A_119 = arith.constant 0 : i32
    %dma_start3A_120 = tpu.memref_slice %arg4[%add3A_112, %dma_start3A_119] : memref<1638400x64xf32, #tpu.memory_space<hbm>> -> memref<256x64xf32, #tpu.memory_space<hbm>>
    %dma_start3A_121 = tpu.memref_slice %arg8[%dma_start3A_114] : memref<4x!tpu.dma_semaphore, #tpu.memory_space<semaphore_mem>> -> memref<1x!tpu.dma_semaphore, #tpu.memory_space<semaphore_mem>>
    %dma_start3A_122 = tpu.memref_squeeze %dma_start3A_121 : memref<1x!tpu.dma_semaphore, #tpu.memory_space<semaphore_mem>> -> memref<!tpu.dma_semaphore, #tpu.memory_space<semaphore_mem>>
    %dma_start3A_123 = arith.constant 0 : i32
    %dma_start3A_124 = tpu.memref_slice %arg4[%add3A_112, %dma_start3A_123] : memref<1638400x64xf32, #tpu.memory_space<hbm>> -> memref<256x64xf32, #tpu.memory_space<hbm>>
    %dma_start3A_125 = arith.constant 0 : i32
    %dma_start3A_126 = arith.constant 0 : i32
    %dma_start3A_127 = tpu.memref_slice %arg6[%dma_start3A_113, %dma_start3A_125, %dma_start3A_126] : memref<4x256x64xf32, #tpu.memory_space<vmem>> -> memref<1x256x64xf32, #tpu.memory_space<vmem>>
    %dma_start3A_128 = tpu.memref_squeeze %dma_start3A_127 : memref<1x256x64xf32, #tpu.memory_space<vmem>> -> memref<256x64xf32, #tpu.memory_space<vmem>>
    tpu.enqueue_dma source(%dma_start3A_128 : memref<256x64xf32, #tpu.memory_space<vmem>>) target(%dma_start3A_124 : memref<256x64xf32, #tpu.memory_space<hbm>>) target_semaphore(%dma_start3A_122 : memref<!tpu.dma_semaphore, #tpu.memory_space<semaphore_mem>>)
    %dma_wait3A_129 = arith.constant 2 : i32
    %dma_wait3A_130 = arith.constant 2 : i32
    %dma_wait3A_131 = arith.constant 2 : i32
    %dma_wait3A_132 = arith.constant 0 : i32
    %dma_wait3A_133 = arith.constant 0 : i32
    %dma_wait3A_134 = tpu.memref_slice %arg6[%dma_wait3A_130, %dma_wait3A_132, %dma_wait3A_133] : memref<4x256x64xf32, #tpu.memory_space<vmem>> -> memref<1x256x64xf32, #tpu.memory_space<vmem>>
    %dma_wait3A_135 = tpu.memref_squeeze %dma_wait3A_134 : memref<1x256x64xf32, #tpu.memory_space<vmem>> -> memref<256x64xf32, #tpu.memory_space<vmem>>
    %dma_wait3A_136 = arith.constant 0 : i32
    %dma_wait3A_137 = tpu.memref_slice %arg5[%dma_wait3A_129, %dma_wait3A_136] : memref<200x256xi32, #tpu.memory_space<vmem>> -> memref<1x256xi32, #tpu.memory_space<vmem>>
    %dma_wait3A_138 = tpu.memref_squeeze %dma_wait3A_137 : memref<1x256xi32, #tpu.memory_space<vmem>> -> memref<256xi32, #tpu.memory_space<vmem>>
    %dma_wait3A_139 = arith.constant 0 : i32
    %dma_wait3A_140 = arith.constant 0 : i32
    %dma_wait3A_141 = tpu.memref_slice %arg2[%dma_wait3A_139, %dma_wait3A_140] : memref<1000000x64xf32, #tpu.memory_space<hbm>> -> memref<1000000x64xf32, #tpu.memory_space<hbm>>
    %dma_wait3A_142 = tpu.memref_slice %arg7[%dma_wait3A_131] : memref<4x!tpu.dma_semaphore, #tpu.memory_space<semaphore_mem>> -> memref<1x!tpu.dma_semaphore, #tpu.memory_space<semaphore_mem>>
    %dma_wait3A_143 = tpu.memref_squeeze %dma_wait3A_142 : memref<1x!tpu.dma_semaphore, #tpu.memory_space<semaphore_mem>> -> memref<!tpu.dma_semaphore, #tpu.memory_space<semaphore_mem>>
    tpu.wait_indirect_dma semaphore(%dma_wait3A_143 : memref<!tpu.dma_semaphore, #tpu.memory_space<semaphore_mem>>) src(%dma_wait3A_141 : memref<1000000x64xf32, #tpu.memory_space<hbm>>) dst(%dma_wait3A_135 : memref<256x64xf32, #tpu.memory_space<vmem>>)
    %add3A_144 = arith.constant 512 : i32
    %add3A_145 = arith.addi %mul3A_2, %add3A_144 : i32
    %dma_start3A_146 = arith.constant 2 : i32
    %dma_start3A_147 = arith.constant 2 : i32
    %dma_start3A_148 = arith.constant 0 : i32
    %dma_start3A_149 = arith.constant 0 : i32
    %dma_start3A_150 = tpu.memref_slice %arg6[%dma_start3A_146, %dma_start3A_148, %dma_start3A_149] : memref<4x256x64xf32, #tpu.memory_space<vmem>> -> memref<1x256x64xf32, #tpu.memory_space<vmem>>
    %dma_start3A_151 = tpu.memref_squeeze %dma_start3A_150 : memref<1x256x64xf32, #tpu.memory_space<vmem>> -> memref<256x64xf32, #tpu.memory_space<vmem>>
    %dma_start3A_152 = arith.constant 0 : i32
    %dma_start3A_153 = tpu.memref_slice %arg4[%add3A_145, %dma_start3A_152] : memref<1638400x64xf32, #tpu.memory_space<hbm>> -> memref<256x64xf32, #tpu.memory_space<hbm>>
    %dma_start3A_154 = tpu.memref_slice %arg8[%dma_start3A_147] : memref<4x!tpu.dma_semaphore, #tpu.memory_space<semaphore_mem>> -> memref<1x!tpu.dma_semaphore, #tpu.memory_space<semaphore_mem>>
    %dma_start3A_155 = tpu.memref_squeeze %dma_start3A_154 : memref<1x!tpu.dma_semaphore, #tpu.memory_space<semaphore_mem>> -> memref<!tpu.dma_semaphore, #tpu.memory_space<semaphore_mem>>
    %dma_start3A_156 = arith.constant 0 : i32
    %dma_start3A_157 = tpu.memref_slice %arg4[%add3A_145, %dma_start3A_156] : memref<1638400x64xf32, #tpu.memory_space<hbm>> -> memref<256x64xf32, #tpu.memory_space<hbm>>
    %dma_start3A_158 = arith.constant 0 : i32
    %dma_start3A_159 = arith.constant 0 : i32
    %dma_start3A_160 = tpu.memref_slice %arg6[%dma_start3A_146, %dma_start3A_158, %dma_start3A_159] : memref<4x256x64xf32, #tpu.memory_space<vmem>> -> memref<1x256x64xf32, #tpu.memory_space<vmem>>
    %dma_start3A_161 = tpu.memref_squeeze %dma_start3A_160 : memref<1x256x64xf32, #tpu.memory_space<vmem>> -> memref<256x64xf32, #tpu.memory_space<vmem>>
    tpu.enqueue_dma source(%dma_start3A_161 : memref<256x64xf32, #tpu.memory_space<vmem>>) target(%dma_start3A_157 : memref<256x64xf32, #tpu.memory_space<hbm>>) target_semaphore(%dma_start3A_155 : memref<!tpu.dma_semaphore, #tpu.memory_space<semaphore_mem>>)
    %dma_wait3A_162 = arith.constant 3 : i32
    %dma_wait3A_163 = arith.constant 3 : i32
    %dma_wait3A_164 = arith.constant 3 : i32
    %dma_wait3A_165 = arith.constant 0 : i32
    %dma_wait3A_166 = arith.constant 0 : i32
    %dma_wait3A_167 = tpu.memref_slice %arg6[%dma_wait3A_163, %dma_wait3A_165, %dma_wait3A_166] : memref<4x256x64xf32, #tpu.memory_space<vmem>> -> memref<1x256x64xf32, #tpu.memory_space<vmem>>
    %dma_wait3A_168 = tpu.memref_squeeze %dma_wait3A_167 : memref<1x256x64xf32, #tpu.memory_space<vmem>> -> memref<256x64xf32, #tpu.memory_space<vmem>>
    %dma_wait3A_169 = arith.constant 0 : i32
    %dma_wait3A_170 = tpu.memref_slice %arg5[%dma_wait3A_162, %dma_wait3A_169] : memref<200x256xi32, #tpu.memory_space<vmem>> -> memref<1x256xi32, #tpu.memory_space<vmem>>
    %dma_wait3A_171 = tpu.memref_squeeze %dma_wait3A_170 : memref<1x256xi32, #tpu.memory_space<vmem>> -> memref<256xi32, #tpu.memory_space<vmem>>
    %dma_wait3A_172 = arith.constant 0 : i32
    %dma_wait3A_173 = arith.constant 0 : i32
    %dma_wait3A_174 = tpu.memref_slice %arg2[%dma_wait3A_172, %dma_wait3A_173] : memref<1000000x64xf32, #tpu.memory_space<hbm>> -> memref<1000000x64xf32, #tpu.memory_space<hbm>>
    %dma_wait3A_175 = tpu.memref_slice %arg7[%dma_wait3A_164] : memref<4x!tpu.dma_semaphore, #tpu.memory_space<semaphore_mem>> -> memref<1x!tpu.dma_semaphore, #tpu.memory_space<semaphore_mem>>
    %dma_wait3A_176 = tpu.memref_squeeze %dma_wait3A_175 : memref<1x!tpu.dma_semaphore, #tpu.memory_space<semaphore_mem>> -> memref<!tpu.dma_semaphore, #tpu.memory_space<semaphore_mem>>
    tpu.wait_indirect_dma semaphore(%dma_wait3A_176 : memref<!tpu.dma_semaphore, #tpu.memory_space<semaphore_mem>>) src(%dma_wait3A_174 : memref<1000000x64xf32, #tpu.memory_space<hbm>>) dst(%dma_wait3A_168 : memref<256x64xf32, #tpu.memory_space<vmem>>)
    %add3A_177 = arith.constant 768 : i32
    %add3A_178 = arith.addi %mul3A_2, %add3A_177 : i32
    %dma_start3A_179 = arith.constant 3 : i32
    %dma_start3A_180 = arith.constant 3 : i32
    %dma_start3A_181 = arith.constant 0 : i32
    %dma_start3A_182 = arith.constant 0 : i32
    %dma_start3A_183 = tpu.memref_slice %arg6[%dma_start3A_179, %dma_start3A_181, %dma_start3A_182] : memref<4x256x64xf32, #tpu.memory_space<vmem>> -> memref<1x256x64xf32, #tpu.memory_space<vmem>>
    %dma_start3A_184 = tpu.memref_squeeze %dma_start3A_183 : memref<1x256x64xf32, #tpu.memory_space<vmem>> -> memref<256x64xf32, #tpu.memory_space<vmem>>
    %dma_start3A_185 = arith.constant 0 : i32
    %dma_start3A_186 = tpu.memref_slice %arg4[%add3A_178, %dma_start3A_185] : memref<1638400x64xf32, #tpu.memory_space<hbm>> -> memref<256x64xf32, #tpu.memory_space<hbm>>
    %dma_start3A_187 = tpu.memref_slice %arg8[%dma_start3A_180] : memref<4x!tpu.dma_semaphore, #tpu.memory_space<semaphore_mem>> -> memref<1x!tpu.dma_semaphore, #tpu.memory_space<semaphore_mem>>
    %dma_start3A_188 = tpu.memref_squeeze %dma_start3A_187 : memref<1x!tpu.dma_semaphore, #tpu.memory_space<semaphore_mem>> -> memref<!tpu.dma_semaphore, #tpu.memory_space<semaphore_mem>>
    %dma_start3A_189 = arith.constant 0 : i32
    %dma_start3A_190 = tpu.memref_slice %arg4[%add3A_178, %dma_start3A_189] : memref<1638400x64xf32, #tpu.memory_space<hbm>> -> memref<256x64xf32, #tpu.memory_space<hbm>>
    %dma_start3A_191 = arith.constant 0 : i32
    %dma_start3A_192 = arith.constant 0 : i32
    %dma_start3A_193 = tpu.memref_slice %arg6[%dma_start3A_179, %dma_start3A_191, %dma_start3A_192] : memref<4x256x64xf32, #tpu.memory_space<vmem>> -> memref<1x256x64xf32, #tpu.memory_space<vmem>>
    %dma_start3A_194 = tpu.memref_squeeze %dma_start3A_193 : memref<1x256x64xf32, #tpu.memory_space<vmem>> -> memref<256x64xf32, #tpu.memory_space<vmem>>
    tpu.enqueue_dma source(%dma_start3A_194 : memref<256x64xf32, #tpu.memory_space<vmem>>) target(%dma_start3A_190 : memref<256x64xf32, #tpu.memory_space<hbm>>) target_semaphore(%dma_start3A_188 : memref<!tpu.dma_semaphore, #tpu.memory_space<semaphore_mem>>)
    %scan3A = arith.constant 0 : i32
    %scan3A_195 = arith.constant 1 : i32
    %scan3A_196 = arith.constant 49 : i32
    %scan3A_197 = arith.addi %scan3A_195, %scan3A_196 : i32
    %scan3A_198 = arith.constant 1 : i32
    scf.for %scan3A_272 = %scan3A_195 to %scan3A_197 step %scan3A_198  : i32 {
      %mul3A_273 = arith.constant 4 : i32
      %mul3A_274 = arith.muli %scan3A_272, %mul3A_273 : i32
      %sub3A = arith.constant 4 : i32
      %sub3A_275 = arith.subi %mul3A_274, %sub3A : i32
      %add3A_276 = arith.constant 0 : i32
      %add3A_277 = arith.addi %sub3A_275, %add3A_276 : i32
      %mul3A_278 = arith.constant 256 : i32
      %mul3A_279 = arith.muli %add3A_277, %mul3A_278 : i32
      %add3A_280 = arith.addi %mul3A_2, %mul3A_279 : i32
      %dma_wait3A_281 = arith.constant 0 : i32
      %dma_wait3A_282 = arith.constant 0 : i32
      %dma_wait3A_283 = arith.constant 0 : i32
      %dma_wait3A_284 = arith.constant 0 : i32
      %dma_wait3A_285 = tpu.memref_slice %arg6[%dma_wait3A_281, %dma_wait3A_283, %dma_wait3A_284] : memref<4x256x64xf32, #tpu.memory_space<vmem>> -> memref<1x256x64xf32, #tpu.memory_space<vmem>>
      %dma_wait3A_286 = tpu.memref_squeeze %dma_wait3A_285 : memref<1x256x64xf32, #tpu.memory_space<vmem>> -> memref<256x64xf32, #tpu.memory_space<vmem>>
      %dma_wait3A_287 = arith.constant 0 : i32
      %dma_wait3A_288 = tpu.memref_slice %arg4[%add3A_280, %dma_wait3A_287] : memref<1638400x64xf32, #tpu.memory_space<hbm>> -> memref<256x64xf32, #tpu.memory_space<hbm>>
      %dma_wait3A_289 = tpu.memref_slice %arg8[%dma_wait3A_282] : memref<4x!tpu.dma_semaphore, #tpu.memory_space<semaphore_mem>> -> memref<1x!tpu.dma_semaphore, #tpu.memory_space<semaphore_mem>>
      %dma_wait3A_290 = tpu.memref_squeeze %dma_wait3A_289 : memref<1x!tpu.dma_semaphore, #tpu.memory_space<semaphore_mem>> -> memref<!tpu.dma_semaphore, #tpu.memory_space<semaphore_mem>>
      %dma_wait3A_291 = arith.constant 0 : i32
      %dma_wait3A_292 = tpu.memref_slice %arg4[%add3A_280, %dma_wait3A_291] : memref<1638400x64xf32, #tpu.memory_space<hbm>> -> memref<256x64xf32, #tpu.memory_space<hbm>>
      %dma_wait3A_293 = arith.constant 0 : i32
      %dma_wait3A_294 = arith.constant 0 : i32
      %dma_wait3A_295 = tpu.memref_slice %arg6[%dma_wait3A_281, %dma_wait3A_293, %dma_wait3A_294] : memref<4x256x64xf32, #tpu.memory_space<vmem>> -> memref<1x256x64xf32, #tpu.memory_space<vmem>>
      %dma_wait3A_296 = tpu.memref_squeeze %dma_wait3A_295 : memref<1x256x64xf32, #tpu.memory_space<vmem>> -> memref<256x64xf32, #tpu.memory_space<vmem>>
      tpu.wait_dma2 semaphore(%dma_wait3A_290 : memref<!tpu.dma_semaphore, #tpu.memory_space<semaphore_mem>>) src(%dma_wait3A_296 : memref<256x64xf32, #tpu.memory_space<vmem>>) dst(%dma_wait3A_292 : memref<256x64xf32, #tpu.memory_space<hbm>>)
      %add3A_297 = arith.constant 0 : i32
      %add3A_298 = arith.addi %mul3A_274, %add3A_297 : i32
      %dma_start3A_299 = arith.constant 0 : i32
      %dma_start3A_300 = arith.constant 0 : i32
      %dma_start3A_301 = arith.constant 0 : i32
      %dma_start3A_302 = arith.constant 0 : i32
      %dma_start3A_303 = tpu.memref_slice %arg6[%dma_start3A_299, %dma_start3A_301, %dma_start3A_302] : memref<4x256x64xf32, #tpu.memory_space<vmem>> -> memref<1x256x64xf32, #tpu.memory_space<vmem>>
      %dma_start3A_304 = tpu.memref_squeeze %dma_start3A_303 : memref<1x256x64xf32, #tpu.memory_space<vmem>> -> memref<256x64xf32, #tpu.memory_space<vmem>>
      %dma_start3A_305 = arith.constant 0 : i32
      %dma_start3A_306 = tpu.memref_slice %arg5[%add3A_298, %dma_start3A_305] : memref<200x256xi32, #tpu.memory_space<vmem>> -> memref<1x256xi32, #tpu.memory_space<vmem>>
      %dma_start3A_307 = tpu.memref_squeeze %dma_start3A_306 : memref<1x256xi32, #tpu.memory_space<vmem>> -> memref<256xi32, #tpu.memory_space<vmem>>
      %dma_start3A_308 = arith.constant 0 : i32
      %dma_start3A_309 = arith.constant 0 : i32
      %dma_start3A_310 = tpu.memref_slice %arg2[%dma_start3A_308, %dma_start3A_309] : memref<1000000x64xf32, #tpu.memory_space<hbm>> -> memref<1000000x64xf32, #tpu.memory_space<hbm>>
      %dma_start3A_311 = tpu.memref_slice %arg7[%dma_start3A_300] : memref<4x!tpu.dma_semaphore, #tpu.memory_space<semaphore_mem>> -> memref<1x!tpu.dma_semaphore, #tpu.memory_space<semaphore_mem>>
      %dma_start3A_312 = tpu.memref_squeeze %dma_start3A_311 : memref<1x!tpu.dma_semaphore, #tpu.memory_space<semaphore_mem>> -> memref<!tpu.dma_semaphore, #tpu.memory_space<semaphore_mem>>
      tpu.enqueue_indirect_dma source(%dma_start3A_310 : memref<1000000x64xf32, #tpu.memory_space<hbm>>) target(%dma_start3A_304 : memref<256x64xf32, #tpu.memory_space<vmem>>) offsets(%dma_start3A_307 : memref<256xi32, #tpu.memory_space<vmem>>) semaphore(%dma_start3A_312 : memref<!tpu.dma_semaphore, #tpu.memory_space<semaphore_mem>>)
      %sub3A_313 = arith.constant 4 : i32
      %sub3A_314 = arith.subi %mul3A_274, %sub3A_313 : i32
      %add3A_315 = arith.constant 1 : i32
      %add3A_316 = arith.addi %sub3A_314, %add3A_315 : i32
      %mul3A_317 = arith.constant 256 : i32
      %mul3A_318 = arith.muli %add3A_316, %mul3A_317 : i32
      %add3A_319 = arith.addi %mul3A_2, %mul3A_318 : i32
      %dma_wait3A_320 = arith.constant 1 : i32
      %dma_wait3A_321 = arith.constant 1 : i32
      %dma_wait3A_322 = arith.constant 0 : i32
      %dma_wait3A_323 = arith.constant 0 : i32
      %dma_wait3A_324 = tpu.memref_slice %arg6[%dma_wait3A_320, %dma_wait3A_322, %dma_wait3A_323] : memref<4x256x64xf32, #tpu.memory_space<vmem>> -> memref<1x256x64xf32, #tpu.memory_space<vmem>>
      %dma_wait3A_325 = tpu.memref_squeeze %dma_wait3A_324 : memref<1x256x64xf32, #tpu.memory_space<vmem>> -> memref<256x64xf32, #tpu.memory_space<vmem>>
      %dma_wait3A_326 = arith.constant 0 : i32
      %dma_wait3A_327 = tpu.memref_slice %arg4[%add3A_319, %dma_wait3A_326] : memref<1638400x64xf32, #tpu.memory_space<hbm>> -> memref<256x64xf32, #tpu.memory_space<hbm>>
      %dma_wait3A_328 = tpu.memref_slice %arg8[%dma_wait3A_321] : memref<4x!tpu.dma_semaphore, #tpu.memory_space<semaphore_mem>> -> memref<1x!tpu.dma_semaphore, #tpu.memory_space<semaphore_mem>>
      %dma_wait3A_329 = tpu.memref_squeeze %dma_wait3A_328 : memref<1x!tpu.dma_semaphore, #tpu.memory_space<semaphore_mem>> -> memref<!tpu.dma_semaphore, #tpu.memory_space<semaphore_mem>>
      %dma_wait3A_330 = arith.constant 0 : i32
      %dma_wait3A_331 = tpu.memref_slice %arg4[%add3A_319, %dma_wait3A_330] : memref<1638400x64xf32, #tpu.memory_space<hbm>> -> memref<256x64xf32, #tpu.memory_space<hbm>>
      %dma_wait3A_332 = arith.constant 0 : i32
      %dma_wait3A_333 = arith.constant 0 : i32
      %dma_wait3A_334 = tpu.memref_slice %arg6[%dma_wait3A_320, %dma_wait3A_332, %dma_wait3A_333] : memref<4x256x64xf32, #tpu.memory_space<vmem>> -> memref<1x256x64xf32, #tpu.memory_space<vmem>>
      %dma_wait3A_335 = tpu.memref_squeeze %dma_wait3A_334 : memref<1x256x64xf32, #tpu.memory_space<vmem>> -> memref<256x64xf32, #tpu.memory_space<vmem>>
      tpu.wait_dma2 semaphore(%dma_wait3A_329 : memref<!tpu.dma_semaphore, #tpu.memory_space<semaphore_mem>>) src(%dma_wait3A_335 : memref<256x64xf32, #tpu.memory_space<vmem>>) dst(%dma_wait3A_331 : memref<256x64xf32, #tpu.memory_space<hbm>>)
      %add3A_336 = arith.constant 1 : i32
      %add3A_337 = arith.addi %mul3A_274, %add3A_336 : i32
      %dma_start3A_338 = arith.constant 1 : i32
      %dma_start3A_339 = arith.constant 1 : i32
      %dma_start3A_340 = arith.constant 0 : i32
      %dma_start3A_341 = arith.constant 0 : i32
      %dma_start3A_342 = tpu.memref_slice %arg6[%dma_start3A_338, %dma_start3A_340, %dma_start3A_341] : memref<4x256x64xf32, #tpu.memory_space<vmem>> -> memref<1x256x64xf32, #tpu.memory_space<vmem>>
      %dma_start3A_343 = tpu.memref_squeeze %dma_start3A_342 : memref<1x256x64xf32, #tpu.memory_space<vmem>> -> memref<256x64xf32, #tpu.memory_space<vmem>>
      %dma_start3A_344 = arith.constant 0 : i32
      %dma_start3A_345 = tpu.memref_slice %arg5[%add3A_337, %dma_start3A_344] : memref<200x256xi32, #tpu.memory_space<vmem>> -> memref<1x256xi32, #tpu.memory_space<vmem>>
      %dma_start3A_346 = tpu.memref_squeeze %dma_start3A_345 : memref<1x256xi32, #tpu.memory_space<vmem>> -> memref<256xi32, #tpu.memory_space<vmem>>
      %dma_start3A_347 = arith.constant 0 : i32
      %dma_start3A_348 = arith.constant 0 : i32
      %dma_start3A_349 = tpu.memref_slice %arg2[%dma_start3A_347, %dma_start3A_348] : memref<1000000x64xf32, #tpu.memory_space<hbm>> -> memref<1000000x64xf32, #tpu.memory_space<hbm>>
      %dma_start3A_350 = tpu.memref_slice %arg7[%dma_start3A_339] : memref<4x!tpu.dma_semaphore, #tpu.memory_space<semaphore_mem>> -> memref<1x!tpu.dma_semaphore, #tpu.memory_space<semaphore_mem>>
      %dma_start3A_351 = tpu.memref_squeeze %dma_start3A_350 : memref<1x!tpu.dma_semaphore, #tpu.memory_space<semaphore_mem>> -> memref<!tpu.dma_semaphore, #tpu.memory_space<semaphore_mem>>
      tpu.enqueue_indirect_dma source(%dma_start3A_349 : memref<1000000x64xf32, #tpu.memory_space<hbm>>) target(%dma_start3A_343 : memref<256x64xf32, #tpu.memory_space<vmem>>) offsets(%dma_start3A_346 : memref<256xi32, #tpu.memory_space<vmem>>) semaphore(%dma_start3A_351 : memref<!tpu.dma_semaphore, #tpu.memory_space<semaphore_mem>>)
      %sub3A_352 = arith.constant 4 : i32
      %sub3A_353 = arith.subi %mul3A_274, %sub3A_352 : i32
      %add3A_354 = arith.constant 2 : i32
      %add3A_355 = arith.addi %sub3A_353, %add3A_354 : i32
      %mul3A_356 = arith.constant 256 : i32
      %mul3A_357 = arith.muli %add3A_355, %mul3A_356 : i32
      %add3A_358 = arith.addi %mul3A_2, %mul3A_357 : i32
      %dma_wait3A_359 = arith.constant 2 : i32
      %dma_wait3A_360 = arith.constant 2 : i32
      %dma_wait3A_361 = arith.constant 0 : i32
      %dma_wait3A_362 = arith.constant 0 : i32
      %dma_wait3A_363 = tpu.memref_slice %arg6[%dma_wait3A_359, %dma_wait3A_361, %dma_wait3A_362] : memref<4x256x64xf32, #tpu.memory_space<vmem>> -> memref<1x256x64xf32, #tpu.memory_space<vmem>>
      %dma_wait3A_364 = tpu.memref_squeeze %dma_wait3A_363 : memref<1x256x64xf32, #tpu.memory_space<vmem>> -> memref<256x64xf32, #tpu.memory_space<vmem>>
      %dma_wait3A_365 = arith.constant 0 : i32
      %dma_wait3A_366 = tpu.memref_slice %arg4[%add3A_358, %dma_wait3A_365] : memref<1638400x64xf32, #tpu.memory_space<hbm>> -> memref<256x64xf32, #tpu.memory_space<hbm>>
      %dma_wait3A_367 = tpu.memref_slice %arg8[%dma_wait3A_360] : memref<4x!tpu.dma_semaphore, #tpu.memory_space<semaphore_mem>> -> memref<1x!tpu.dma_semaphore, #tpu.memory_space<semaphore_mem>>
      %dma_wait3A_368 = tpu.memref_squeeze %dma_wait3A_367 : memref<1x!tpu.dma_semaphore, #tpu.memory_space<semaphore_mem>> -> memref<!tpu.dma_semaphore, #tpu.memory_space<semaphore_mem>>
      %dma_wait3A_369 = arith.constant 0 : i32
      %dma_wait3A_370 = tpu.memref_slice %arg4[%add3A_358, %dma_wait3A_369] : memref<1638400x64xf32, #tpu.memory_space<hbm>> -> memref<256x64xf32, #tpu.memory_space<hbm>>
      %dma_wait3A_371 = arith.constant 0 : i32
      %dma_wait3A_372 = arith.constant 0 : i32
      %dma_wait3A_373 = tpu.memref_slice %arg6[%dma_wait3A_359, %dma_wait3A_371, %dma_wait3A_372] : memref<4x256x64xf32, #tpu.memory_space<vmem>> -> memref<1x256x64xf32, #tpu.memory_space<vmem>>
      %dma_wait3A_374 = tpu.memref_squeeze %dma_wait3A_373 : memref<1x256x64xf32, #tpu.memory_space<vmem>> -> memref<256x64xf32, #tpu.memory_space<vmem>>
      tpu.wait_dma2 semaphore(%dma_wait3A_368 : memref<!tpu.dma_semaphore, #tpu.memory_space<semaphore_mem>>) src(%dma_wait3A_374 : memref<256x64xf32, #tpu.memory_space<vmem>>) dst(%dma_wait3A_370 : memref<256x64xf32, #tpu.memory_space<hbm>>)
      %add3A_375 = arith.constant 2 : i32
      %add3A_376 = arith.addi %mul3A_274, %add3A_375 : i32
      %dma_start3A_377 = arith.constant 2 : i32
      %dma_start3A_378 = arith.constant 2 : i32
      %dma_start3A_379 = arith.constant 0 : i32
      %dma_start3A_380 = arith.constant 0 : i32
      %dma_start3A_381 = tpu.memref_slice %arg6[%dma_start3A_377, %dma_start3A_379, %dma_start3A_380] : memref<4x256x64xf32, #tpu.memory_space<vmem>> -> memref<1x256x64xf32, #tpu.memory_space<vmem>>
      %dma_start3A_382 = tpu.memref_squeeze %dma_start3A_381 : memref<1x256x64xf32, #tpu.memory_space<vmem>> -> memref<256x64xf32, #tpu.memory_space<vmem>>
      %dma_start3A_383 = arith.constant 0 : i32
      %dma_start3A_384 = tpu.memref_slice %arg5[%add3A_376, %dma_start3A_383] : memref<200x256xi32, #tpu.memory_space<vmem>> -> memref<1x256xi32, #tpu.memory_space<vmem>>
      %dma_start3A_385 = tpu.memref_squeeze %dma_start3A_384 : memref<1x256xi32, #tpu.memory_space<vmem>> -> memref<256xi32, #tpu.memory_space<vmem>>
      %dma_start3A_386 = arith.constant 0 : i32
      %dma_start3A_387 = arith.constant 0 : i32
      %dma_start3A_388 = tpu.memref_slice %arg2[%dma_start3A_386, %dma_start3A_387] : memref<1000000x64xf32, #tpu.memory_space<hbm>> -> memref<1000000x64xf32, #tpu.memory_space<hbm>>
      %dma_start3A_389 = tpu.memref_slice %arg7[%dma_start3A_378] : memref<4x!tpu.dma_semaphore, #tpu.memory_space<semaphore_mem>> -> memref<1x!tpu.dma_semaphore, #tpu.memory_space<semaphore_mem>>
      %dma_start3A_390 = tpu.memref_squeeze %dma_start3A_389 : memref<1x!tpu.dma_semaphore, #tpu.memory_space<semaphore_mem>> -> memref<!tpu.dma_semaphore, #tpu.memory_space<semaphore_mem>>
      tpu.enqueue_indirect_dma source(%dma_start3A_388 : memref<1000000x64xf32, #tpu.memory_space<hbm>>) target(%dma_start3A_382 : memref<256x64xf32, #tpu.memory_space<vmem>>) offsets(%dma_start3A_385 : memref<256xi32, #tpu.memory_space<vmem>>) semaphore(%dma_start3A_390 : memref<!tpu.dma_semaphore, #tpu.memory_space<semaphore_mem>>)
      %sub3A_391 = arith.constant 4 : i32
      %sub3A_392 = arith.subi %mul3A_274, %sub3A_391 : i32
      %add3A_393 = arith.constant 3 : i32
      %add3A_394 = arith.addi %sub3A_392, %add3A_393 : i32
      %mul3A_395 = arith.constant 256 : i32
      %mul3A_396 = arith.muli %add3A_394, %mul3A_395 : i32
      %add3A_397 = arith.addi %mul3A_2, %mul3A_396 : i32
      %dma_wait3A_398 = arith.constant 3 : i32
      %dma_wait3A_399 = arith.constant 3 : i32
      %dma_wait3A_400 = arith.constant 0 : i32
      %dma_wait3A_401 = arith.constant 0 : i32
      %dma_wait3A_402 = tpu.memref_slice %arg6[%dma_wait3A_398, %dma_wait3A_400, %dma_wait3A_401] : memref<4x256x64xf32, #tpu.memory_space<vmem>> -> memref<1x256x64xf32, #tpu.memory_space<vmem>>
      %dma_wait3A_403 = tpu.memref_squeeze %dma_wait3A_402 : memref<1x256x64xf32, #tpu.memory_space<vmem>> -> memref<256x64xf32, #tpu.memory_space<vmem>>
      %dma_wait3A_404 = arith.constant 0 : i32
      %dma_wait3A_405 = tpu.memref_slice %arg4[%add3A_397, %dma_wait3A_404] : memref<1638400x64xf32, #tpu.memory_space<hbm>> -> memref<256x64xf32, #tpu.memory_space<hbm>>
      %dma_wait3A_406 = tpu.memref_slice %arg8[%dma_wait3A_399] : memref<4x!tpu.dma_semaphore, #tpu.memory_space<semaphore_mem>> -> memref<1x!tpu.dma_semaphore, #tpu.memory_space<semaphore_mem>>
      %dma_wait3A_407 = tpu.memref_squeeze %dma_wait3A_406 : memref<1x!tpu.dma_semaphore, #tpu.memory_space<semaphore_mem>> -> memref<!tpu.dma_semaphore, #tpu.memory_space<semaphore_mem>>
      %dma_wait3A_408 = arith.constant 0 : i32
      %dma_wait3A_409 = tpu.memref_slice %arg4[%add3A_397, %dma_wait3A_408] : memref<1638400x64xf32, #tpu.memory_space<hbm>> -> memref<256x64xf32, #tpu.memory_space<hbm>>
      %dma_wait3A_410 = arith.constant 0 : i32
      %dma_wait3A_411 = arith.constant 0 : i32
      %dma_wait3A_412 = tpu.memref_slice %arg6[%dma_wait3A_398, %dma_wait3A_410, %dma_wait3A_411] : memref<4x256x64xf32, #tpu.memory_space<vmem>> -> memref<1x256x64xf32, #tpu.memory_space<vmem>>
      %dma_wait3A_413 = tpu.memref_squeeze %dma_wait3A_412 : memref<1x256x64xf32, #tpu.memory_space<vmem>> -> memref<256x64xf32, #tpu.memory_space<vmem>>
      tpu.wait_dma2 semaphore(%dma_wait3A_407 : memref<!tpu.dma_semaphore, #tpu.memory_space<semaphore_mem>>) src(%dma_wait3A_413 : memref<256x64xf32, #tpu.memory_space<vmem>>) dst(%dma_wait3A_409 : memref<256x64xf32, #tpu.memory_space<hbm>>)
      %add3A_414 = arith.constant 3 : i32
      %add3A_415 = arith.addi %mul3A_274, %add3A_414 : i32
      %dma_start3A_416 = arith.constant 3 : i32
      %dma_start3A_417 = arith.constant 3 : i32
      %dma_start3A_418 = arith.constant 0 : i32
      %dma_start3A_419 = arith.constant 0 : i32
      %dma_start3A_420 = tpu.memref_slice %arg6[%dma_start3A_416, %dma_start3A_418, %dma_start3A_419] : memref<4x256x64xf32, #tpu.memory_space<vmem>> -> memref<1x256x64xf32, #tpu.memory_space<vmem>>
      %dma_start3A_421 = tpu.memref_squeeze %dma_start3A_420 : memref<1x256x64xf32, #tpu.memory_space<vmem>> -> memref<256x64xf32, #tpu.memory_space<vmem>>
      %dma_start3A_422 = arith.constant 0 : i32
      %dma_start3A_423 = tpu.memref_slice %arg5[%add3A_415, %dma_start3A_422] : memref<200x256xi32, #tpu.memory_space<vmem>> -> memref<1x256xi32, #tpu.memory_space<vmem>>
      %dma_start3A_424 = tpu.memref_squeeze %dma_start3A_423 : memref<1x256xi32, #tpu.memory_space<vmem>> -> memref<256xi32, #tpu.memory_space<vmem>>
      %dma_start3A_425 = arith.constant 0 : i32
      %dma_start3A_426 = arith.constant 0 : i32
      %dma_start3A_427 = tpu.memref_slice %arg2[%dma_start3A_425, %dma_start3A_426] : memref<1000000x64xf32, #tpu.memory_space<hbm>> -> memref<1000000x64xf32, #tpu.memory_space<hbm>>
      %dma_start3A_428 = tpu.memref_slice %arg7[%dma_start3A_417] : memref<4x!tpu.dma_semaphore, #tpu.memory_space<semaphore_mem>> -> memref<1x!tpu.dma_semaphore, #tpu.memory_space<semaphore_mem>>
      %dma_start3A_429 = tpu.memref_squeeze %dma_start3A_428 : memref<1x!tpu.dma_semaphore, #tpu.memory_space<semaphore_mem>> -> memref<!tpu.dma_semaphore, #tpu.memory_space<semaphore_mem>>
      tpu.enqueue_indirect_dma source(%dma_start3A_427 : memref<1000000x64xf32, #tpu.memory_space<hbm>>) target(%dma_start3A_421 : memref<256x64xf32, #tpu.memory_space<vmem>>) offsets(%dma_start3A_424 : memref<256xi32, #tpu.memory_space<vmem>>) semaphore(%dma_start3A_429 : memref<!tpu.dma_semaphore, #tpu.memory_space<semaphore_mem>>)
      %add3A_430 = arith.constant 0 : i32
      %add3A_431 = arith.addi %mul3A_274, %add3A_430 : i32
      %dma_wait3A_432 = arith.constant 0 : i32
      %dma_wait3A_433 = arith.constant 0 : i32
      %dma_wait3A_434 = arith.constant 0 : i32
      %dma_wait3A_435 = arith.constant 0 : i32
      %dma_wait3A_436 = tpu.memref_slice %arg6[%dma_wait3A_432, %dma_wait3A_434, %dma_wait3A_435] : memref<4x256x64xf32, #tpu.memory_space<vmem>> -> memref<1x256x64xf32, #tpu.memory_space<vmem>>
      %dma_wait3A_437 = tpu.memref_squeeze %dma_wait3A_436 : memref<1x256x64xf32, #tpu.memory_space<vmem>> -> memref<256x64xf32, #tpu.memory_space<vmem>>
      %dma_wait3A_438 = arith.constant 0 : i32
      %dma_wait3A_439 = tpu.memref_slice %arg5[%add3A_431, %dma_wait3A_438] : memref<200x256xi32, #tpu.memory_space<vmem>> -> memref<1x256xi32, #tpu.memory_space<vmem>>
      %dma_wait3A_440 = tpu.memref_squeeze %dma_wait3A_439 : memref<1x256xi32, #tpu.memory_space<vmem>> -> memref<256xi32, #tpu.memory_space<vmem>>
      %dma_wait3A_441 = arith.constant 0 : i32
      %dma_wait3A_442 = arith.constant 0 : i32
      %dma_wait3A_443 = tpu.memref_slice %arg2[%dma_wait3A_441, %dma_wait3A_442] : memref<1000000x64xf32, #tpu.memory_space<hbm>> -> memref<1000000x64xf32, #tpu.memory_space<hbm>>
      %dma_wait3A_444 = tpu.memref_slice %arg7[%dma_wait3A_433] : memref<4x!tpu.dma_semaphore, #tpu.memory_space<semaphore_mem>> -> memref<1x!tpu.dma_semaphore, #tpu.memory_space<semaphore_mem>>
      %dma_wait3A_445 = tpu.memref_squeeze %dma_wait3A_444 : memref<1x!tpu.dma_semaphore, #tpu.memory_space<semaphore_mem>> -> memref<!tpu.dma_semaphore, #tpu.memory_space<semaphore_mem>>
      tpu.wait_indirect_dma semaphore(%dma_wait3A_445 : memref<!tpu.dma_semaphore, #tpu.memory_space<semaphore_mem>>) src(%dma_wait3A_443 : memref<1000000x64xf32, #tpu.memory_space<hbm>>) dst(%dma_wait3A_437 : memref<256x64xf32, #tpu.memory_space<vmem>>)
      %add3A_446 = arith.constant 0 : i32
      %add3A_447 = arith.addi %mul3A_274, %add3A_446 : i32
      %mul3A_448 = arith.constant 256 : i32
      %mul3A_449 = arith.muli %add3A_447, %mul3A_448 : i32
      %add3A_450 = arith.addi %mul3A_2, %mul3A_449 : i32
      %dma_start3A_451 = arith.constant 0 : i32
      %dma_start3A_452 = arith.constant 0 : i32
      %dma_start3A_453 = arith.constant 0 : i32
      %dma_start3A_454 = arith.constant 0 : i32
      %dma_start3A_455 = tpu.memref_slice %arg6[%dma_start3A_451, %dma_start3A_453, %dma_start3A_454] : memref<4x256x64xf32, #tpu.memory_space<vmem>> -> memref<1x256x64xf32, #tpu.memory_space<vmem>>
      %dma_start3A_456 = tpu.memref_squeeze %dma_start3A_455 : memref<1x256x64xf32, #tpu.memory_space<vmem>> -> memref<256x64xf32, #tpu.memory_space<vmem>>
      %dma_start3A_457 = arith.constant 0 : i32
      %dma_start3A_458 = tpu.memref_slice %arg4[%add3A_450, %dma_start3A_457] : memref<1638400x64xf32, #tpu.memory_space<hbm>> -> memref<256x64xf32, #tpu.memory_space<hbm>>
      %dma_start3A_459 = tpu.memref_slice %arg8[%dma_start3A_452] : memref<4x!tpu.dma_semaphore, #tpu.memory_space<semaphore_mem>> -> memref<1x!tpu.dma_semaphore, #tpu.memory_space<semaphore_mem>>
      %dma_start3A_460 = tpu.memref_squeeze %dma_start3A_459 : memref<1x!tpu.dma_semaphore, #tpu.memory_space<semaphore_mem>> -> memref<!tpu.dma_semaphore, #tpu.memory_space<semaphore_mem>>
      %dma_start3A_461 = arith.constant 0 : i32
      %dma_start3A_462 = tpu.memref_slice %arg4[%add3A_450, %dma_start3A_461] : memref<1638400x64xf32, #tpu.memory_space<hbm>> -> memref<256x64xf32, #tpu.memory_space<hbm>>
      %dma_start3A_463 = arith.constant 0 : i32
      %dma_start3A_464 = arith.constant 0 : i32
      %dma_start3A_465 = tpu.memref_slice %arg6[%dma_start3A_451, %dma_start3A_463, %dma_start3A_464] : memref<4x256x64xf32, #tpu.memory_space<vmem>> -> memref<1x256x64xf32, #tpu.memory_space<vmem>>
      %dma_start3A_466 = tpu.memref_squeeze %dma_start3A_465 : memref<1x256x64xf32, #tpu.memory_space<vmem>> -> memref<256x64xf32, #tpu.memory_space<vmem>>
      tpu.enqueue_dma source(%dma_start3A_466 : memref<256x64xf32, #tpu.memory_space<vmem>>) target(%dma_start3A_462 : memref<256x64xf32, #tpu.memory_space<hbm>>) target_semaphore(%dma_start3A_460 : memref<!tpu.dma_semaphore, #tpu.memory_space<semaphore_mem>>)
      %add3A_467 = arith.constant 1 : i32
      %add3A_468 = arith.addi %mul3A_274, %add3A_467 : i32
      %dma_wait3A_469 = arith.constant 1 : i32
      %dma_wait3A_470 = arith.constant 1 : i32
      %dma_wait3A_471 = arith.constant 0 : i32
      %dma_wait3A_472 = arith.constant 0 : i32
      %dma_wait3A_473 = tpu.memref_slice %arg6[%dma_wait3A_469, %dma_wait3A_471, %dma_wait3A_472] : memref<4x256x64xf32, #tpu.memory_space<vmem>> -> memref<1x256x64xf32, #tpu.memory_space<vmem>>
      %dma_wait3A_474 = tpu.memref_squeeze %dma_wait3A_473 : memref<1x256x64xf32, #tpu.memory_space<vmem>> -> memref<256x64xf32, #tpu.memory_space<vmem>>
      %dma_wait3A_475 = arith.constant 0 : i32
      %dma_wait3A_476 = tpu.memref_slice %arg5[%add3A_468, %dma_wait3A_475] : memref<200x256xi32, #tpu.memory_space<vmem>> -> memref<1x256xi32, #tpu.memory_space<vmem>>
      %dma_wait3A_477 = tpu.memref_squeeze %dma_wait3A_476 : memref<1x256xi32, #tpu.memory_space<vmem>> -> memref<256xi32, #tpu.memory_space<vmem>>
      %dma_wait3A_478 = arith.constant 0 : i32
      %dma_wait3A_479 = arith.constant 0 : i32
      %dma_wait3A_480 = tpu.memref_slice %arg2[%dma_wait3A_478, %dma_wait3A_479] : memref<1000000x64xf32, #tpu.memory_space<hbm>> -> memref<1000000x64xf32, #tpu.memory_space<hbm>>
      %dma_wait3A_481 = tpu.memref_slice %arg7[%dma_wait3A_470] : memref<4x!tpu.dma_semaphore, #tpu.memory_space<semaphore_mem>> -> memref<1x!tpu.dma_semaphore, #tpu.memory_space<semaphore_mem>>
      %dma_wait3A_482 = tpu.memref_squeeze %dma_wait3A_481 : memref<1x!tpu.dma_semaphore, #tpu.memory_space<semaphore_mem>> -> memref<!tpu.dma_semaphore, #tpu.memory_space<semaphore_mem>>
      tpu.wait_indirect_dma semaphore(%dma_wait3A_482 : memref<!tpu.dma_semaphore, #tpu.memory_space<semaphore_mem>>) src(%dma_wait3A_480 : memref<1000000x64xf32, #tpu.memory_space<hbm>>) dst(%dma_wait3A_474 : memref<256x64xf32, #tpu.memory_space<vmem>>)
      %add3A_483 = arith.constant 1 : i32
      %add3A_484 = arith.addi %mul3A_274, %add3A_483 : i32
      %mul3A_485 = arith.constant 256 : i32
      %mul3A_486 = arith.muli %add3A_484, %mul3A_485 : i32
      %add3A_487 = arith.addi %mul3A_2, %mul3A_486 : i32
      %dma_start3A_488 = arith.constant 1 : i32
      %dma_start3A_489 = arith.constant 1 : i32
      %dma_start3A_490 = arith.constant 0 : i32
      %dma_start3A_491 = arith.constant 0 : i32
      %dma_start3A_492 = tpu.memref_slice %arg6[%dma_start3A_488, %dma_start3A_490, %dma_start3A_491] : memref<4x256x64xf32, #tpu.memory_space<vmem>> -> memref<1x256x64xf32, #tpu.memory_space<vmem>>
      %dma_start3A_493 = tpu.memref_squeeze %dma_start3A_492 : memref<1x256x64xf32, #tpu.memory_space<vmem>> -> memref<256x64xf32, #tpu.memory_space<vmem>>
      %dma_start3A_494 = arith.constant 0 : i32
      %dma_start3A_495 = tpu.memref_slice %arg4[%add3A_487, %dma_start3A_494] : memref<1638400x64xf32, #tpu.memory_space<hbm>> -> memref<256x64xf32, #tpu.memory_space<hbm>>
      %dma_start3A_496 = tpu.memref_slice %arg8[%dma_start3A_489] : memref<4x!tpu.dma_semaphore, #tpu.memory_space<semaphore_mem>> -> memref<1x!tpu.dma_semaphore, #tpu.memory_space<semaphore_mem>>
      %dma_start3A_497 = tpu.memref_squeeze %dma_start3A_496 : memref<1x!tpu.dma_semaphore, #tpu.memory_space<semaphore_mem>> -> memref<!tpu.dma_semaphore, #tpu.memory_space<semaphore_mem>>
      %dma_start3A_498 = arith.constant 0 : i32
      %dma_start3A_499 = tpu.memref_slice %arg4[%add3A_487, %dma_start3A_498] : memref<1638400x64xf32, #tpu.memory_space<hbm>> -> memref<256x64xf32, #tpu.memory_space<hbm>>
      %dma_start3A_500 = arith.constant 0 : i32
      %dma_start3A_501 = arith.constant 0 : i32
      %dma_start3A_502 = tpu.memref_slice %arg6[%dma_start3A_488, %dma_start3A_500, %dma_start3A_501] : memref<4x256x64xf32, #tpu.memory_space<vmem>> -> memref<1x256x64xf32, #tpu.memory_space<vmem>>
      %dma_start3A_503 = tpu.memref_squeeze %dma_start3A_502 : memref<1x256x64xf32, #tpu.memory_space<vmem>> -> memref<256x64xf32, #tpu.memory_space<vmem>>
      tpu.enqueue_dma source(%dma_start3A_503 : memref<256x64xf32, #tpu.memory_space<vmem>>) target(%dma_start3A_499 : memref<256x64xf32, #tpu.memory_space<hbm>>) target_semaphore(%dma_start3A_497 : memref<!tpu.dma_semaphore, #tpu.memory_space<semaphore_mem>>)
      %add3A_504 = arith.constant 2 : i32
      %add3A_505 = arith.addi %mul3A_274, %add3A_504 : i32
      %dma_wait3A_506 = arith.constant 2 : i32
      %dma_wait3A_507 = arith.constant 2 : i32
      %dma_wait3A_508 = arith.constant 0 : i32
      %dma_wait3A_509 = arith.constant 0 : i32
      %dma_wait3A_510 = tpu.memref_slice %arg6[%dma_wait3A_506, %dma_wait3A_508, %dma_wait3A_509] : memref<4x256x64xf32, #tpu.memory_space<vmem>> -> memref<1x256x64xf32, #tpu.memory_space<vmem>>
      %dma_wait3A_511 = tpu.memref_squeeze %dma_wait3A_510 : memref<1x256x64xf32, #tpu.memory_space<vmem>> -> memref<256x64xf32, #tpu.memory_space<vmem>>
      %dma_wait3A_512 = arith.constant 0 : i32
      %dma_wait3A_513 = tpu.memref_slice %arg5[%add3A_505, %dma_wait3A_512] : memref<200x256xi32, #tpu.memory_space<vmem>> -> memref<1x256xi32, #tpu.memory_space<vmem>>
      %dma_wait3A_514 = tpu.memref_squeeze %dma_wait3A_513 : memref<1x256xi32, #tpu.memory_space<vmem>> -> memref<256xi32, #tpu.memory_space<vmem>>
      %dma_wait3A_515 = arith.constant 0 : i32
      %dma_wait3A_516 = arith.constant 0 : i32
      %dma_wait3A_517 = tpu.memref_slice %arg2[%dma_wait3A_515, %dma_wait3A_516] : memref<1000000x64xf32, #tpu.memory_space<hbm>> -> memref<1000000x64xf32, #tpu.memory_space<hbm>>
      %dma_wait3A_518 = tpu.memref_slice %arg7[%dma_wait3A_507] : memref<4x!tpu.dma_semaphore, #tpu.memory_space<semaphore_mem>> -> memref<1x!tpu.dma_semaphore, #tpu.memory_space<semaphore_mem>>
      %dma_wait3A_519 = tpu.memref_squeeze %dma_wait3A_518 : memref<1x!tpu.dma_semaphore, #tpu.memory_space<semaphore_mem>> -> memref<!tpu.dma_semaphore, #tpu.memory_space<semaphore_mem>>
      tpu.wait_indirect_dma semaphore(%dma_wait3A_519 : memref<!tpu.dma_semaphore, #tpu.memory_space<semaphore_mem>>) src(%dma_wait3A_517 : memref<1000000x64xf32, #tpu.memory_space<hbm>>) dst(%dma_wait3A_511 : memref<256x64xf32, #tpu.memory_space<vmem>>)
      %add3A_520 = arith.constant 2 : i32
      %add3A_521 = arith.addi %mul3A_274, %add3A_520 : i32
      %mul3A_522 = arith.constant 256 : i32
      %mul3A_523 = arith.muli %add3A_521, %mul3A_522 : i32
      %add3A_524 = arith.addi %mul3A_2, %mul3A_523 : i32
      %dma_start3A_525 = arith.constant 2 : i32
      %dma_start3A_526 = arith.constant 2 : i32
      %dma_start3A_527 = arith.constant 0 : i32
      %dma_start3A_528 = arith.constant 0 : i32
      %dma_start3A_529 = tpu.memref_slice %arg6[%dma_start3A_525, %dma_start3A_527, %dma_start3A_528] : memref<4x256x64xf32, #tpu.memory_space<vmem>> -> memref<1x256x64xf32, #tpu.memory_space<vmem>>
      %dma_start3A_530 = tpu.memref_squeeze %dma_start3A_529 : memref<1x256x64xf32, #tpu.memory_space<vmem>> -> memref<256x64xf32, #tpu.memory_space<vmem>>
      %dma_start3A_531 = arith.constant 0 : i32
      %dma_start3A_532 = tpu.memref_slice %arg4[%add3A_524, %dma_start3A_531] : memref<1638400x64xf32, #tpu.memory_space<hbm>> -> memref<256x64xf32, #tpu.memory_space<hbm>>
      %dma_start3A_533 = tpu.memref_slice %arg8[%dma_start3A_526] : memref<4x!tpu.dma_semaphore, #tpu.memory_space<semaphore_mem>> -> memref<1x!tpu.dma_semaphore, #tpu.memory_space<semaphore_mem>>
      %dma_start3A_534 = tpu.memref_squeeze %dma_start3A_533 : memref<1x!tpu.dma_semaphore, #tpu.memory_space<semaphore_mem>> -> memref<!tpu.dma_semaphore, #tpu.memory_space<semaphore_mem>>
      %dma_start3A_535 = arith.constant 0 : i32
      %dma_start3A_536 = tpu.memref_slice %arg4[%add3A_524, %dma_start3A_535] : memref<1638400x64xf32, #tpu.memory_space<hbm>> -> memref<256x64xf32, #tpu.memory_space<hbm>>
      %dma_start3A_537 = arith.constant 0 : i32
      %dma_start3A_538 = arith.constant 0 : i32
      %dma_start3A_539 = tpu.memref_slice %arg6[%dma_start3A_525, %dma_start3A_537, %dma_start3A_538] : memref<4x256x64xf32, #tpu.memory_space<vmem>> -> memref<1x256x64xf32, #tpu.memory_space<vmem>>
      %dma_start3A_540 = tpu.memref_squeeze %dma_start3A_539 : memref<1x256x64xf32, #tpu.memory_space<vmem>> -> memref<256x64xf32, #tpu.memory_space<vmem>>
      tpu.enqueue_dma source(%dma_start3A_540 : memref<256x64xf32, #tpu.memory_space<vmem>>) target(%dma_start3A_536 : memref<256x64xf32, #tpu.memory_space<hbm>>) target_semaphore(%dma_start3A_534 : memref<!tpu.dma_semaphore, #tpu.memory_space<semaphore_mem>>)
      %add3A_541 = arith.constant 3 : i32
      %add3A_542 = arith.addi %mul3A_274, %add3A_541 : i32
      %dma_wait3A_543 = arith.constant 3 : i32
      %dma_wait3A_544 = arith.constant 3 : i32
      %dma_wait3A_545 = arith.constant 0 : i32
      %dma_wait3A_546 = arith.constant 0 : i32
      %dma_wait3A_547 = tpu.memref_slice %arg6[%dma_wait3A_543, %dma_wait3A_545, %dma_wait3A_546] : memref<4x256x64xf32, #tpu.memory_space<vmem>> -> memref<1x256x64xf32, #tpu.memory_space<vmem>>
      %dma_wait3A_548 = tpu.memref_squeeze %dma_wait3A_547 : memref<1x256x64xf32, #tpu.memory_space<vmem>> -> memref<256x64xf32, #tpu.memory_space<vmem>>
      %dma_wait3A_549 = arith.constant 0 : i32
      %dma_wait3A_550 = tpu.memref_slice %arg5[%add3A_542, %dma_wait3A_549] : memref<200x256xi32, #tpu.memory_space<vmem>> -> memref<1x256xi32, #tpu.memory_space<vmem>>
      %dma_wait3A_551 = tpu.memref_squeeze %dma_wait3A_550 : memref<1x256xi32, #tpu.memory_space<vmem>> -> memref<256xi32, #tpu.memory_space<vmem>>
      %dma_wait3A_552 = arith.constant 0 : i32
      %dma_wait3A_553 = arith.constant 0 : i32
      %dma_wait3A_554 = tpu.memref_slice %arg2[%dma_wait3A_552, %dma_wait3A_553] : memref<1000000x64xf32, #tpu.memory_space<hbm>> -> memref<1000000x64xf32, #tpu.memory_space<hbm>>
      %dma_wait3A_555 = tpu.memref_slice %arg7[%dma_wait3A_544] : memref<4x!tpu.dma_semaphore, #tpu.memory_space<semaphore_mem>> -> memref<1x!tpu.dma_semaphore, #tpu.memory_space<semaphore_mem>>
      %dma_wait3A_556 = tpu.memref_squeeze %dma_wait3A_555 : memref<1x!tpu.dma_semaphore, #tpu.memory_space<semaphore_mem>> -> memref<!tpu.dma_semaphore, #tpu.memory_space<semaphore_mem>>
      tpu.wait_indirect_dma semaphore(%dma_wait3A_556 : memref<!tpu.dma_semaphore, #tpu.memory_space<semaphore_mem>>) src(%dma_wait3A_554 : memref<1000000x64xf32, #tpu.memory_space<hbm>>) dst(%dma_wait3A_548 : memref<256x64xf32, #tpu.memory_space<vmem>>)
      %add3A_557 = arith.constant 3 : i32
      %add3A_558 = arith.addi %mul3A_274, %add3A_557 : i32
      %mul3A_559 = arith.constant 256 : i32
      %mul3A_560 = arith.muli %add3A_558, %mul3A_559 : i32
      %add3A_561 = arith.addi %mul3A_2, %mul3A_560 : i32
      %dma_start3A_562 = arith.constant 3 : i32
      %dma_start3A_563 = arith.constant 3 : i32
      %dma_start3A_564 = arith.constant 0 : i32
      %dma_start3A_565 = arith.constant 0 : i32
      %dma_start3A_566 = tpu.memref_slice %arg6[%dma_start3A_562, %dma_start3A_564, %dma_start3A_565] : memref<4x256x64xf32, #tpu.memory_space<vmem>> -> memref<1x256x64xf32, #tpu.memory_space<vmem>>
      %dma_start3A_567 = tpu.memref_squeeze %dma_start3A_566 : memref<1x256x64xf32, #tpu.memory_space<vmem>> -> memref<256x64xf32, #tpu.memory_space<vmem>>
      %dma_start3A_568 = arith.constant 0 : i32
      %dma_start3A_569 = tpu.memref_slice %arg4[%add3A_561, %dma_start3A_568] : memref<1638400x64xf32, #tpu.memory_space<hbm>> -> memref<256x64xf32, #tpu.memory_space<hbm>>
      %dma_start3A_570 = tpu.memref_slice %arg8[%dma_start3A_563] : memref<4x!tpu.dma_semaphore, #tpu.memory_space<semaphore_mem>> -> memref<1x!tpu.dma_semaphore, #tpu.memory_space<semaphore_mem>>
      %dma_start3A_571 = tpu.memref_squeeze %dma_start3A_570 : memref<1x!tpu.dma_semaphore, #tpu.memory_space<semaphore_mem>> -> memref<!tpu.dma_semaphore, #tpu.memory_space<semaphore_mem>>
      %dma_start3A_572 = arith.constant 0 : i32
      %dma_start3A_573 = tpu.memref_slice %arg4[%add3A_561, %dma_start3A_572] : memref<1638400x64xf32, #tpu.memory_space<hbm>> -> memref<256x64xf32, #tpu.memory_space<hbm>>
      %dma_start3A_574 = arith.constant 0 : i32
      %dma_start3A_575 = arith.constant 0 : i32
      %dma_start3A_576 = tpu.memref_slice %arg6[%dma_start3A_562, %dma_start3A_574, %dma_start3A_575] : memref<4x256x64xf32, #tpu.memory_space<vmem>> -> memref<1x256x64xf32, #tpu.memory_space<vmem>>
      %dma_start3A_577 = tpu.memref_squeeze %dma_start3A_576 : memref<1x256x64xf32, #tpu.memory_space<vmem>> -> memref<256x64xf32, #tpu.memory_space<vmem>>
      tpu.enqueue_dma source(%dma_start3A_577 : memref<256x64xf32, #tpu.memory_space<vmem>>) target(%dma_start3A_573 : memref<256x64xf32, #tpu.memory_space<hbm>>) target_semaphore(%dma_start3A_571 : memref<!tpu.dma_semaphore, #tpu.memory_space<semaphore_mem>>)
    }
    %scan3A_199 = arith.constant 49 : i32
    %add3A_200 = arith.constant 50176 : i32
    %add3A_201 = arith.addi %mul3A_2, %add3A_200 : i32
    %dma_wait3A_202 = arith.constant 0 : i32
    %dma_wait3A_203 = arith.constant 0 : i32
    %dma_wait3A_204 = arith.constant 0 : i32
    %dma_wait3A_205 = arith.constant 0 : i32
    %dma_wait3A_206 = tpu.memref_slice %arg6[%dma_wait3A_202, %dma_wait3A_204, %dma_wait3A_205] : memref<4x256x64xf32, #tpu.memory_space<vmem>> -> memref<1x256x64xf32, #tpu.memory_space<vmem>>
    %dma_wait3A_207 = tpu.memref_squeeze %dma_wait3A_206 : memref<1x256x64xf32, #tpu.memory_space<vmem>> -> memref<256x64xf32, #tpu.memory_space<vmem>>
    %dma_wait3A_208 = arith.constant 0 : i32
    %dma_wait3A_209 = tpu.memref_slice %arg4[%add3A_201, %dma_wait3A_208] : memref<1638400x64xf32, #tpu.memory_space<hbm>> -> memref<256x64xf32, #tpu.memory_space<hbm>>
    %dma_wait3A_210 = tpu.memref_slice %arg8[%dma_wait3A_203] : memref<4x!tpu.dma_semaphore, #tpu.memory_space<semaphore_mem>> -> memref<1x!tpu.dma_semaphore, #tpu.memory_space<semaphore_mem>>
    %dma_wait3A_211 = tpu.memref_squeeze %dma_wait3A_210 : memref<1x!tpu.dma_semaphore, #tpu.memory_space<semaphore_mem>> -> memref<!tpu.dma_semaphore, #tpu.memory_space<semaphore_mem>>
    %dma_wait3A_212 = arith.constant 0 : i32
    %dma_wait3A_213 = tpu.memref_slice %arg4[%add3A_201, %dma_wait3A_212] : memref<1638400x64xf32, #tpu.memory_space<hbm>> -> memref<256x64xf32, #tpu.memory_space<hbm>>
    %dma_wait3A_214 = arith.constant 0 : i32
    %dma_wait3A_215 = arith.constant 0 : i32
    %dma_wait3A_216 = tpu.memref_slice %arg6[%dma_wait3A_202, %dma_wait3A_214, %dma_wait3A_215] : memref<4x256x64xf32, #tpu.memory_space<vmem>> -> memref<1x256x64xf32, #tpu.memory_space<vmem>>
    %dma_wait3A_217 = tpu.memref_squeeze %dma_wait3A_216 : memref<1x256x64xf32, #tpu.memory_space<vmem>> -> memref<256x64xf32, #tpu.memory_space<vmem>>
    tpu.wait_dma2 semaphore(%dma_wait3A_211 : memref<!tpu.dma_semaphore, #tpu.memory_space<semaphore_mem>>) src(%dma_wait3A_217 : memref<256x64xf32, #tpu.memory_space<vmem>>) dst(%dma_wait3A_213 : memref<256x64xf32, #tpu.memory_space<hbm>>)
    %add3A_218 = arith.constant 50432 : i32
    %add3A_219 = arith.addi %mul3A_2, %add3A_218 : i32
    %dma_wait3A_220 = arith.constant 1 : i32
    %dma_wait3A_221 = arith.constant 1 : i32
    %dma_wait3A_222 = arith.constant 0 : i32
    %dma_wait3A_223 = arith.constant 0 : i32
    %dma_wait3A_224 = tpu.memref_slice %arg6[%dma_wait3A_220, %dma_wait3A_222, %dma_wait3A_223] : memref<4x256x64xf32, #tpu.memory_space<vmem>> -> memref<1x256x64xf32, #tpu.memory_space<vmem>>
    %dma_wait3A_225 = tpu.memref_squeeze %dma_wait3A_224 : memref<1x256x64xf32, #tpu.memory_space<vmem>> -> memref<256x64xf32, #tpu.memory_space<vmem>>
    %dma_wait3A_226 = arith.constant 0 : i32
    %dma_wait3A_227 = tpu.memref_slice %arg4[%add3A_219, %dma_wait3A_226] : memref<1638400x64xf32, #tpu.memory_space<hbm>> -> memref<256x64xf32, #tpu.memory_space<hbm>>
    %dma_wait3A_228 = tpu.memref_slice %arg8[%dma_wait3A_221] : memref<4x!tpu.dma_semaphore, #tpu.memory_space<semaphore_mem>> -> memref<1x!tpu.dma_semaphore, #tpu.memory_space<semaphore_mem>>
    %dma_wait3A_229 = tpu.memref_squeeze %dma_wait3A_228 : memref<1x!tpu.dma_semaphore, #tpu.memory_space<semaphore_mem>> -> memref<!tpu.dma_semaphore, #tpu.memory_space<semaphore_mem>>
    %dma_wait3A_230 = arith.constant 0 : i32
    %dma_wait3A_231 = tpu.memref_slice %arg4[%add3A_219, %dma_wait3A_230] : memref<1638400x64xf32, #tpu.memory_space<hbm>> -> memref<256x64xf32, #tpu.memory_space<hbm>>
    %dma_wait3A_232 = arith.constant 0 : i32
    %dma_wait3A_233 = arith.constant 0 : i32
    %dma_wait3A_234 = tpu.memref_slice %arg6[%dma_wait3A_220, %dma_wait3A_232, %dma_wait3A_233] : memref<4x256x64xf32, #tpu.memory_space<vmem>> -> memref<1x256x64xf32, #tpu.memory_space<vmem>>
    %dma_wait3A_235 = tpu.memref_squeeze %dma_wait3A_234 : memref<1x256x64xf32, #tpu.memory_space<vmem>> -> memref<256x64xf32, #tpu.memory_space<vmem>>
    tpu.wait_dma2 semaphore(%dma_wait3A_229 : memref<!tpu.dma_semaphore, #tpu.memory_space<semaphore_mem>>) src(%dma_wait3A_235 : memref<256x64xf32, #tpu.memory_space<vmem>>) dst(%dma_wait3A_231 : memref<256x64xf32, #tpu.memory_space<hbm>>)
    %add3A_236 = arith.constant 50688 : i32
    %add3A_237 = arith.addi %mul3A_2, %add3A_236 : i32
    %dma_wait3A_238 = arith.constant 2 : i32
    %dma_wait3A_239 = arith.constant 2 : i32
    %dma_wait3A_240 = arith.constant 0 : i32
    %dma_wait3A_241 = arith.constant 0 : i32
    %dma_wait3A_242 = tpu.memref_slice %arg6[%dma_wait3A_238, %dma_wait3A_240, %dma_wait3A_241] : memref<4x256x64xf32, #tpu.memory_space<vmem>> -> memref<1x256x64xf32, #tpu.memory_space<vmem>>
    %dma_wait3A_243 = tpu.memref_squeeze %dma_wait3A_242 : memref<1x256x64xf32, #tpu.memory_space<vmem>> -> memref<256x64xf32, #tpu.memory_space<vmem>>
    %dma_wait3A_244 = arith.constant 0 : i32
    %dma_wait3A_245 = tpu.memref_slice %arg4[%add3A_237, %dma_wait3A_244] : memref<1638400x64xf32, #tpu.memory_space<hbm>> -> memref<256x64xf32, #tpu.memory_space<hbm>>
    %dma_wait3A_246 = tpu.memref_slice %arg8[%dma_wait3A_239] : memref<4x!tpu.dma_semaphore, #tpu.memory_space<semaphore_mem>> -> memref<1x!tpu.dma_semaphore, #tpu.memory_space<semaphore_mem>>
    %dma_wait3A_247 = tpu.memref_squeeze %dma_wait3A_246 : memref<1x!tpu.dma_semaphore, #tpu.memory_space<semaphore_mem>> -> memref<!tpu.dma_semaphore, #tpu.memory_space<semaphore_mem>>
    %dma_wait3A_248 = arith.constant 0 : i32
    %dma_wait3A_249 = tpu.memref_slice %arg4[%add3A_237, %dma_wait3A_248] : memref<1638400x64xf32, #tpu.memory_space<hbm>> -> memref<256x64xf32, #tpu.memory_space<hbm>>
    %dma_wait3A_250 = arith.constant 0 : i32
    %dma_wait3A_251 = arith.constant 0 : i32
    %dma_wait3A_252 = tpu.memref_slice %arg6[%dma_wait3A_238, %dma_wait3A_250, %dma_wait3A_251] : memref<4x256x64xf32, #tpu.memory_space<vmem>> -> memref<1x256x64xf32, #tpu.memory_space<vmem>>
    %dma_wait3A_253 = tpu.memref_squeeze %dma_wait3A_252 : memref<1x256x64xf32, #tpu.memory_space<vmem>> -> memref<256x64xf32, #tpu.memory_space<vmem>>
    tpu.wait_dma2 semaphore(%dma_wait3A_247 : memref<!tpu.dma_semaphore, #tpu.memory_space<semaphore_mem>>) src(%dma_wait3A_253 : memref<256x64xf32, #tpu.memory_space<vmem>>) dst(%dma_wait3A_249 : memref<256x64xf32, #tpu.memory_space<hbm>>)
    %add3A_254 = arith.constant 50944 : i32
    %add3A_255 = arith.addi %mul3A_2, %add3A_254 : i32
    %dma_wait3A_256 = arith.constant 3 : i32
    %dma_wait3A_257 = arith.constant 3 : i32
    %dma_wait3A_258 = arith.constant 0 : i32
    %dma_wait3A_259 = arith.constant 0 : i32
    %dma_wait3A_260 = tpu.memref_slice %arg6[%dma_wait3A_256, %dma_wait3A_258, %dma_wait3A_259] : memref<4x256x64xf32, #tpu.memory_space<vmem>> -> memref<1x256x64xf32, #tpu.memory_space<vmem>>
    %dma_wait3A_261 = tpu.memref_squeeze %dma_wait3A_260 : memref<1x256x64xf32, #tpu.memory_space<vmem>> -> memref<256x64xf32, #tpu.memory_space<vmem>>
    %dma_wait3A_262 = arith.constant 0 : i32
    %dma_wait3A_263 = tpu.memref_slice %arg4[%add3A_255, %dma_wait3A_262] : memref<1638400x64xf32, #tpu.memory_space<hbm>> -> memref<256x64xf32, #tpu.memory_space<hbm>>
    %dma_wait3A_264 = tpu.memref_slice %arg8[%dma_wait3A_257] : memref<4x!tpu.dma_semaphore, #tpu.memory_space<semaphore_mem>> -> memref<1x!tpu.dma_semaphore, #tpu.memory_space<semaphore_mem>>
    %dma_wait3A_265 = tpu.memref_squeeze %dma_wait3A_264 : memref<1x!tpu.dma_semaphore, #tpu.memory_space<semaphore_mem>> -> memref<!tpu.dma_semaphore, #tpu.memory_space<semaphore_mem>>
    %dma_wait3A_266 = arith.constant 0 : i32
    %dma_wait3A_267 = tpu.memref_slice %arg4[%add3A_255, %dma_wait3A_266] : memref<1638400x64xf32, #tpu.memory_space<hbm>> -> memref<256x64xf32, #tpu.memory_space<hbm>>
    %dma_wait3A_268 = arith.constant 0 : i32
    %dma_wait3A_269 = arith.constant 0 : i32
    %dma_wait3A_270 = tpu.memref_slice %arg6[%dma_wait3A_256, %dma_wait3A_268, %dma_wait3A_269] : memref<4x256x64xf32, #tpu.memory_space<vmem>> -> memref<1x256x64xf32, #tpu.memory_space<vmem>>
    %dma_wait3A_271 = tpu.memref_squeeze %dma_wait3A_270 : memref<1x256x64xf32, #tpu.memory_space<vmem>> -> memref<256x64xf32, #tpu.memory_space<vmem>>
    tpu.wait_dma2 semaphore(%dma_wait3A_265 : memref<!tpu.dma_semaphore, #tpu.memory_space<semaphore_mem>>) src(%dma_wait3A_271 : memref<256x64xf32, #tpu.memory_space<vmem>>) dst(%dma_wait3A_267 : memref<256x64xf32, #tpu.memory_space<hbm>>)
    return
  }
}

</mosaic_0001>

<sc_bundles>
// kernel: _sc_gather.3.cloned.1.call-start
scs
__scs_entry_jumppad:
0x0: {  	(pc) =	sbr.rel $0x88, $3  }
0x1: {  	(tag) =	ssettag $0x0;
	lr =	simm.s32 $0x1  }
0x2: {  	[smem:$0x3F9F] =	sst lr;
	_ =	strace $0xD0000000  }
0x3: {  	_ = 	snop  }
0x4: {  	_ = 	snop  }
0x5: {  	_ = 	snop  }
0x6: {  	_ = 	snop  }
0x7: {  	_ = 	snop  }
__scs_overlays_trampoline_lowered:
0x8: {  	[smem:$0x3FAE] =	sst s0  }
0x9: {  	[smem:$0x3FAF] =	sst s1  }
0xa: {  	[smem:$0x3FB0] =	sst s2  }
0xb: {  	[smem:$0x3FB1] =	sst s3  }
0xc: {  	[smem:$0x3FB2] =	sst s4  }
0xd: {  	[smem:$0x3FB3] =	sst s5  }
0xe: {  	[smem:$0x3FB4] =	sst s6  }
0xf: {  	[smem:$0x3FB5] =	sst s7  }
0x10: {  	[smem:$0x3FB6] =	sst s8  }
0x11: {  	[smem:$0x3FB7] =	sst s9;
	s0 =	simm.s32 @!p0 $0x0  }
0x12: {  	s1 =	sld [smem:$0x3F9D];
	s0 =	simm.s32 @p0 $0x1  }
0x13: {  	[smem:$0x3FB8] =	sst s0;
	s0 =	simm.s32 @!p1 $0x0  }
0x14: {  	s2 =	sld [smem:$0x3F9C];
	s0 =	simm.s32 @p1 $0x1  }
0x15: {  	[smem:$0x3FB9] =	sst s0;
	s0 =	simm.s32 @!p2 $0x0  }
0x16: {  	s3 =	sld [smem:$0x3FDB];
	s0 =	simm.s32 @p2 $0x1  }
0x17: {  	s4 =	simm.s32 $0x1BF5;
	[smem:$0x3FBB] =	sst s0  }
0x18: {  	s0 =	sld [smem:$0x3F9E];
	_ =	swait.ge [sflag:s4], $0x0  }
0x19: {  	s7 =	sld [smem:$0x3F9F]  }
0x1a: {  	s8 =	sadd.s32 $0xFFFFE003, lr  }
0x1b: {  	s9 =	sadd.s32 $0xFFFFFEF7, lr;
	s5 =	simm.s32 $0xFFFFFFFF;
	p2 =	slt.u32 s8, $0xFFFFF086  }
0x1c: {  	p1 =	slt.u32 s9, $0xF7A;
	s5 =	simm.s32 @!p2 $0x0  }
0x1d: {  	s5 =	simm.s32 @p1 $0x1;
	p0 =	seq.s32 s7, s2  }
0x1e: {  	s7 =	smul.u32 @!p0 $0xF7A, s2;
	p2 =	seq.s32 @!p0 s5, $0x0  }
0x1f: {  	s9 =	smul.u32 $0xF7A, s1;
	s8 =	simm.s32 @!p0 $0x1BF5;
	p2 =	por !p2, p0  }
0x20: {  	[sflag:s8] =	ssyncset.s32 @!p0 $0xFFFFF086;
	s6 =	sadd.s32 @!p0 s3, s7;
	s7 =	simm.s32 @!p0 $0x108  }
0x21: {  	s3 =	sadd.s32 s3, s9;
	s6 =	sadd.s32 @!p0 $0x88, s6;
	s7 =	simm.s32 @p2 $0x1082  }
0x22: {  	[simem:s7], [sflag:s8] =	dma.local @!p0 [hbm:s6], $0xF7A  }
0x23: {  	s9 =	sor.u32 $0xD0000000, s2;
	s6 =	simm.s32 $0x108;
	_ =	swait.ge @!p0 [sflag:s8], $0x0  }
0x24: {  	s3 =	sadd.s32 $0x88, s3;
	s6 =	simm.s32 @!p1 $0x1082;
	[sflag:s4] =	ssyncset.s32 $0xFFFFF086  }
0x25: {  	[simem:s6], [sflag:s4] =	dma.local [hbm:s3], $0xF7A  }
0x26: {  	[smem:$0x3F9F] =	sst s1;
	(tag) =	ssettag s2;
	_ =	strace s9  }
0x27: {  	s1 =	sld [smem:$0x3FAF]  }
0x28: {  	s2 =	sld [smem:$0x3FB0]  }
0x29: {  	s4 =	sld [smem:$0x3FB2]  }
0x2a: {  	p0 =	seq.s32 s5, $0x0;
	s5 =	sld [smem:$0x3FB3]  }
0x2b: {  	s6 =	sld [smem:$0x3FB4]  }
0x2c: {  	s7 =	sld [smem:$0x3FB5]  }
0x2d: {  	s3 =	simm.s32 $0x108;
	s8 =	sld [smem:$0x3FB6]  }
0x2e: {  	s3 =	simm.s32 @!p0 $0x1082;
	s9 =	sld [smem:$0x3FB7]  }
0x2f: {  	lr =	sadd.s32 s0, s3;
	s0 =	sld [smem:$0x3FAE]  }
0x30: {  	s3 =	sld [smem:$0x3FB1]  }
0x31: {  	[smem:$0x3FBA] =	sst s10  }
0x32: {  	s10 =	sld [smem:$0x3FB8];
	_ =	sdelay $0x3  }
0x33: {  	p0 =	seq.s32 s10, $0x1;
	s10 =	sld [smem:$0x3FBA];
	_ =	sdelay $0x3  }
0x34: {  	[smem:$0x3FBA] =	sst s10  }
0x35: {  	s10 =	sld [smem:$0x3FB9];
	_ =	sdelay $0x3  }
0x36: {  	p1 =	seq.s32 s10, $0x1;
	s10 =	sld [smem:$0x3FBA];
	_ =	sdelay $0x3  }
0x37: {  	[smem:$0x3FBA] =	sst s10  }
0x38: {  	s10 =	sld [smem:$0x3FBB]  }
0x39: {  	_ = 	snop;
	(pc) =	sbr.ind lr, $3  }
0x3a: {  	_ = 	snop  }
0x3b: {  	_ = 	snop  }
0x3c: {  	p2 =	seq.s32 s10, $0x1;
	s10 =	sld [smem:$0x3FBA]  }
0x3d: {  	_ =	shalt  }
0x3e: {  	_ =	shalt  }
0x3f: {  	_ =	shalt  }
0x40: {  	_ =	shalt  }
0x41: {  	_ =	shalt  }
0x42: {  	_ =	shalt  }
0x43: {  	_ =	shalt  }
0x44: {  	_ =	shalt  }
0x45: {  	_ =	shalt  }
0x46: {  	_ =	shalt  }
0x47: {  	_ =	shalt  }
0x48: {  	_ =	shalt  }
0x49: {  	_ =	shalt  }
0x4a: {  	_ =	shalt  }
0x4b: {  	_ =	shalt  }
0x4c: {  	_ =	shalt  }
0x4d: {  	_ =	shalt  }
0x4e: {  	_ =	shalt  }
0x4f: {  	_ =	shalt  }
0x50: {  	_ =	shalt  }
0x51: {  	_ =	shalt  }
0x52: {  	_ =	shalt  }
0x53: {  	_ =	shalt  }
0x54: {  	_ =	shalt  }
0x55: {  	_ =	shalt  }
0x56: {  	_ =	shalt  }
0x57: {  	_ =	shalt  }
0x58: {  	_ =	shalt  }
0x59: {  	_ =	shalt  }
0x5a: {  	_ =	shalt  }
0x5b: {  	_ =	shalt  }
0x5c: {  	_ =	shalt  }
0x5d: {  	_ =	shalt  }
0x5e: {  	_ =	shalt  }
0x5f: {  	_ =	shalt  }
0x60: {  	_ =	shalt  }
0x61: {  	_ =	shalt  }
0x62: {  	_ =	shalt  }
0x63: {  	_ =	shalt  }
0x64: {  	_ =	shalt  }
0x65: {  	_ =	shalt  }
0x66: {  	_ =	shalt  }
0x67: {  	_ =	shalt  }
0x68: {  	_ =	shalt  }
0x69: {  	_ =	shalt  }
0x6a: {  	_ =	shalt  }
0x6b: {  	_ =	shalt  }
0x6c: {  	_ =	shalt  }
0x6d: {  	_ =	shalt  }
0x6e: {  	_ =	shalt  }
0x6f: {  	_ =	shalt  }
0x70: {  	_ =	shalt  }
0x71: {  	_ =	shalt  }
0x72: {  	_ =	shalt  }
0x73: {  	_ =	shalt  }
0x74: {  	_ =	shalt  }
0x75: {  	_ =	shalt  }
0x76: {  	_ =	shalt  }
0x77: {  	_ =	shalt  }
0x78: {  	_ =	shalt  }
0x79: {  	_ =	shalt  }
0x7a: {  	_ =	shalt  }
0x7b: {  	_ =	shalt  }
0x7c: {  	_ =	shalt  }
0x7d: {  	_ =	shalt  }
0x7e: {  	_ =	shalt  }
0x7f: {  	_ =	shalt  }
0x80: {  	_ =	shalt  }
0x81: {  	_ =	shalt  }
0x82: {  	_ =	shalt  }
0x83: {  	_ =	shalt  }
0x84: {  	_ =	shalt  }
0x85: {  	_ =	shalt  }
0x86: {  	_ =	shalt  }
0x87: {  	_ =	shalt  }
.Lfunc_end0:
.L_simem_size_0:
called_computation.1_lowered:
.L_overlay_start_0:
0x88: {  	s2 =	sld [smem:$0x3FD9]  }
0x89: {  	s3 =	sld [smem:$0x3FFE];
	_ =	sdelay $0x1  }
0x8a: {  	s1 =	srdreg.scid  }
0x8b: {  	s0 =	sand.u32 $0x1, s1  }
0x8c: {  	s17 =	sshll.u32 s0, $0xA;
	s2 =	sadd.s32 s3, s2  }
0x8d: {  	s2 =	sadd.s32 s2, s17  }
0x8e: {  	[smem:$0x3FC6] =	sst s2  }
0x8f: {  	_ = 	snop  }
0x90: {  	s2 =	sld [smem:$0x3FD0];
	(tm) =	ssettm $0x1  }
0x91: {  	s18 =	sld [smem:$0x3FFB];
	_ =	sdelay $0x3  }
0x92: {  	_ =	strace s18  }
0x93: {  	s3 =	sld [smem:$0x3FFC];
	_ =	sdelay $0x3  }
0x94: {  	_ =	strace s3  }
0x95: {  	s3 =	sld [smem:$0x3FFD];
	_ =	sdelay $0x3  }
0x96: {  	_ =	strace s3  }
0x97: {  	_ =	strace $0x8FFFFFFF  }
0x98: {  	s19 =	sld [smem:$0x3FDB];
	_ =	sdelay $0x1  }
0x99: {  	s4 =	simm.s32 $_scs_section_size  }
0x9a: {  	s5 =	simm.s32 $_size__tile_overlayer_lowered;
	s6 =	simm.s32 $_tile_overlayer_lowered  }
0x9b: {  	s22 =	simm.s32 $0x1BFF;
	s21 =	sshll.u32 s6, $0x1;
	s3 =	sadd.s32 s4, s19  }
0x9c: {  	s7 =	simm.s32 $0x0;
	s20 =	sshll.u32 s5, $0x1;
	s5 =	sadd.s32 s21, s3  }
0x9d: {  	[timem:s7], [sflag:s22] =	dma.local [hbm:s5], s20  }
0x9e: {  	_ =	swait.ge [sflag:s22], s20  }
0x9f: {  	s4 =	ssub.s32 $0x0, s20;
	[sflag:s22] =	ssyncset.done $0x0  }
0xa0: {  	[sflag:s22] =	ssyncadd.s32 s4;
	_ =	sdelay $0x1  }
0xa1: {  	s23 =	simm.s32 $0x1B8B  }
0xa2: {  	_ =	swait.ge [sflag:s23], $0x1  }
0xa3: {  	[sflag:s23] =	ssyncset.done $0x0  }
0xa4: {  	s25 =	simm.s32 $0x1B8E;
	s24 =	sld [smem:$0x3FFE];
	[sflag:s23] =	ssyncadd.s32 $0xFFFFFFFF  }
0xa5: {  	s26 =	simm.s32 $execute0_lowered;
	[smem:$0x3FD2] =	sst s25  }
0xa6: {  	s5 =	sshll.u32 s26, $0x1;
	_ =	strace $0x80000046;
	[dreg:$0x1] =	wrdreg $0xFFFFFFFF  }
0xa7: {  	s28 =	simm.s32 $_size_execute0_lowered;
	s3 =	sadd.s32 s3, s5;
	[dreg:$0x0] =	wrdreg $0x0  }
0xa8: {  	s5 =	sshll.u32 s28, $0x1;
	[dreg:$0x2] =	wrdreg s3  }
0xa9: {  	[dreg:$0x3] =	wrdreg s5  }
0xaa: {  	[dreg:$0x4] =	wrdreg $0xC0  }
0xab: {  	_ =	task [dreg:s7], $0x5FFFF  }
0xac: {  	[dreg:$0x1] =	wrdreg $0xFFFFFFFF  }
0xad: {  	[dreg:$0x0] =	wrdreg $0x60  }
0xae: {  	[dreg:$0x2] =	wrdreg s24  }
0xaf: {  	[dreg:$0x3] =	wrdreg s2  }
0xb0: {  	[dreg:$0x4] =	wrdreg $0x9  }
0xb1: {  	_ =	task.clear_ibuf [dreg:s7], $0x5FFFF;
	_ =	strace $0x90000046  }
0xb2: {  	s29 =	simm.s32 $0x9;
	_ =	strace $0x80000048  }
0xb3: {  	_ =	swait.ge [sflag:s29], $0x1  }
0xb4: {  	[sflag:s29] =	ssyncadd.s32 $0xFFFFFFFF  }
0xb5: {  	_ =	strace $0x90000048  }
0xb6: {  	_ =	sfence  }
0xb7: {  	s30 =	sld [smem:$0x0];
	_ =	sdelay $0x2  }
0xb8: {  	s31 =	sshll.u32 s1, $0xD;
	s1 =	sshrl.u32 s1, $0x2  }
0xb9: {  	s3 =	sand.u32 $0x4000, s31;
	s1 =	sadd.s32 s1, s30  }
0xba: {  	s0 =	sor.u32 s3, s0;
	s1 =	sshll.u32 s1, $0x11  }
0xbb: {  	s0 =	sor.u32 s1, s0  }
0xbc: {  	s0 =	sadd.s32 $0x8F2B, s0  }
0xbd: {  	[sflag:s0] =	ssyncadd.remote.s32 $0x1  }
0xbe: {  	_ =	sfence.sel $0xFFFF  }
0xbf: {  	[dreg:$0x0] =	wrdreg $0xFFFFFFFF;
	(pc) =	sbr.abs _section_cstart, $3  }
0xc0: {  	[dreg:$0x1] =	wrdreg $0xFFFFFFFF  }
0xc1: {  	_ =	task.clear_ibuf [dreg:s7], $0x2FFFF;
	_ =	strace $0x9FFFFFFF  }
0xc2: {  	(tm) =	ssettm $0x7FFFFFFF  }
0xc3: {  	_ =	shalt  }
tec
execute0_lowered:
.L_overlay_start_1:
0x0: {  	(tag) =	ssettag $0x1  }
0x1: {  	s0 =	srdreg.scid;
	s1 =	rddreg [dreg:$0x0]  }
0x2: {  	s7 =	stileid.u32;
	s10 =	rddreg [dreg:$0x1]  }
0x3: {  	s14 =	simm.s32 $0x9;
	s15 =	simm.s32 $0x100;
	s16 =	simm.s32 $0xC800  }
0x4: {  	s17 =	simm.s32 $0x10800;
	s19 =	simm.s32 $0x14800;
	s21 =	simm.s32 $0x18800  }
0x5: {  	s22 =	simm.s32 $0x1;
	s23 =	simm.s32 $0x2;
	s24 =	simm.s32 $0x3  }
0x6: {  	s28 =	simm.s32 $0x6;
	s29 =	simm.s32 $0x7;
	s8 =	smul.u32 $0x640000, s7  }
0x7: {  	s0 =	sand.u32 $0x1, s0;
	s2 =	sshll.u32 s7, $0x1;
	s11 =	smul.u32 $0x19000, s7  }
0x8: {  	s30 =	simm.s32 $0x8;
	s3 =	sor.u32 s0, s2;
	s9 =	smul.u32 $0x320000, s0  }
0x9: {  	s2 =	simm.s32 $0x0;
	s6 =	ssub.s32 $0x2, s0;
	s0 =	smul.u32 $0xC800, s0  }
0xa: {  	s31 =	simm.s32 $0x0;
	s4 =	smul.u32 $0x1900, s3;
	[smem:$0x7FF] =	sst s2  }
0xb: {  	s5 =	smul.u32 $0x64000, s3;
	s3 =	sadd.s32 $0xF74C00, s1;
	s25 =	sshrl.u32 s6, $0x1  }
0xc: {  	_ =	strace $0x80000047;
	s12 =	ssub.s32 s6, s25;
	s26 =	sadd.s32 s9, s8  }
0xd: {  	s0 =	sadd.s32 s0, s11;
	s25 =	simm.s32 $0x4;
	s1 =	sadd.s32 s4, s1  }
0xe: {  	s4 =	sadd.s32 s10, s5;
	s0 =	sshll.u32 s0, $0x3;
	s9 =	smax.u32 s12, $0x1  }
0xf: {  	s5 =	sadd.s32 $0x800, s1;
	s6 =	sadd.s32 $0x800, s4;
	s7 =	sadd.s32 $0x1000, s4  }
0x10: {  	s8 =	sadd.s32 $0x1800, s4;
	s1 =	sor.u32 $0x10000, s26;
	s0 =	sadd.s32 s0, s10  }
0x11: {  	s26 =	simm.s32 $0x5;
	s1 =	sshrl.u32 s1, $0x3;
	s11 =	sadd.s32 $0x3000, s0  }
0x12: {  	s12 =	sadd.s32 $0x2800, s0;
	s13 =	sadd.s32 $0x3800, s0;
	s10 =	sadd.s32 s1, s10  }
.LBB2_1:
0x13: {  	[tilespmem:s2], [sflag:$0x9] =	stream.linear.gather [hbm4b:s5+s2], $0xC800, $0x38;
	[tilespmem:$0x1C800] =	vst v63  }
0x14: {  	_ =	swait.ge [sflag:s14], $0xC800  }
0x15: {  	[sflag:s14] =	ssyncset.done $0x0  }
0x16: {  	[sflag:s14] =	ssyncadd.s32 $0xFFFF3800  }
0x17: {  	[tilespmem:s16], [sflag:$0x1] =	stream.indirect.gather [hbm4b:s3+s15], $0x40, s2, s15, $0xb8;
	[tilespmem:$0x1C800] =	vst v63  }
0x18: {  	_ = 	snop  }
0x19: {  	[tilespmem:s17], [sflag:$0x2] =	stream.indirect.gather [hbm4b:s3+s15], $0x40, s15, s15, $0xb8;
	[tilespmem:$0x1C800] =	vst v63  }
0x1a: {  	s0 =	simm.s32 $0x200  }
0x1b: {  	[tilespmem:s19], [sflag:$0x3] =	stream.indirect.gather [hbm4b:s3+s15], $0x40, s0, s15, $0xb8;
	[tilespmem:$0x1C800] =	vst v63  }
0x1c: {  	s18 =	simm.s32 $0x300  }
0x1d: {  	[tilespmem:s21], [sflag:$0x4] =	stream.indirect.gather [hbm4b:s3+s15], $0x40, s18, s15, $0xb8;
	[tilespmem:$0x1C800] =	vst v63  }
0x1e: {  	_ =	swait.ge [sflag:s22], $0x4000  }
0x1f: {  	[sflag:s22] =	ssyncset.done $0x0  }
0x20: {  	[sflag:s22] =	ssyncadd.s32 $0xFFFFC000  }
0x21: {  	[hbm4b:s4+s2] =	stream.linear.scatter [tilespmem:s16], [sflag:$0x5], $0x4000, $0x38;
	[tilespmem:$0x1C800] =	vst v63  }
0x22: {  	_ =	swait.ge [sflag:s23], $0x4000  }
0x23: {  	[sflag:s23] =	ssyncset.done $0x0  }
0x24: {  	[sflag:s23] =	ssyncadd.s32 $0xFFFFC000  }
0x25: {  	[hbm4b:s6+s2] =	stream.linear.scatter [tilespmem:s17], [sflag:$0x6], $0x4000, $0x38;
	[tilespmem:$0x1C800] =	vst v63  }
0x26: {  	_ =	swait.ge [sflag:s24], $0x4000  }
0x27: {  	[sflag:s24] =	ssyncset.done $0x0  }
0x28: {  	[sflag:s24] =	ssyncadd.s32 $0xFFFFC000  }
0x29: {  	[hbm4b:s7+s2] =	stream.linear.scatter [tilespmem:s19], [sflag:$0x7], $0x4000, $0x38;
	[tilespmem:$0x1C800] =	vst v63  }
0x2a: {  	_ =	swait.ge [sflag:s25], $0x4000  }
0x2b: {  	[sflag:s25] =	ssyncset.done $0x0  }
0x2c: {  	[sflag:s25] =	ssyncadd.s32 $0xFFFFC000  }
0x2d: {  	[hbm4b:s8+s2] =	stream.linear.scatter [tilespmem:s21], [sflag:$0x8], $0x4000, $0x38;
	[tilespmem:$0x1C800] =	vst v63  }
0x2e: {  	_ =	swait.ge [sflag:s26], $0x4000  }
0x2f: {  	[sflag:s26] =	ssyncset.done $0x0  }
0x30: {  	s20 =	simm.s32 $0x400;
	[sflag:s26] =	ssyncadd.s32 $0xFFFFC000  }
0x31: {  	[tilespmem:s16], [sflag:$0x1] =	stream.indirect.gather [hbm4b:s3+s15], $0x40, s20, s15, $0xb8;
	[tilespmem:$0x1C800] =	vst v63  }
0x32: {  	_ =	swait.ge [sflag:s28], $0x4000  }
0x33: {  	[sflag:s28] =	ssyncset.done $0x0  }
0x34: {  	s1 =	simm.s32 $0x500;
	[sflag:s28] =	ssyncadd.s32 $0xFFFFC000  }
0x35: {  	[tilespmem:s17], [sflag:$0x2] =	stream.indirect.gather [hbm4b:s3+s15], $0x40, s1, s15, $0xb8;
	[tilespmem:$0x1C800] =	vst v63  }
0x36: {  	_ =	swait.ge [sflag:s29], $0x4000  }
0x37: {  	[sflag:s29] =	ssyncset.done $0x0  }
0x38: {  	s18 =	simm.s32 $0x600;
	[sflag:s29] =	ssyncadd.s32 $0xFFFFC000  }
0x39: {  	[tilespmem:s19], [sflag:$0x3] =	stream.indirect.gather [hbm4b:s3+s15], $0x40, s18, s15, $0xb8;
	[tilespmem:$0x1C800] =	vst v63  }
0x3a: {  	_ =	swait.ge [sflag:s30], $0x4000  }
0x3b: {  	[sflag:s30] =	ssyncset.done $0x0  }
0x3c: {  	s20 =	simm.s32 $0x700;
	[sflag:s30] =	ssyncadd.s32 $0xFFFFC000  }
0x3d: {  	[tilespmem:s21], [sflag:$0x4] =	stream.indirect.gather [hbm4b:s3+s15], $0x40, s20, s15, $0xb8;
	[tilespmem:$0x1C800] =	vst v63  }
0x3e: {  	_ =	swait.ge [sflag:s22], $0x4000  }
0x3f: {  	[sflag:s22] =	ssyncset.done $0x0  }
0x40: {  	s1 =	sadd.s32 $0x0, s10;
	[sflag:s22] =	ssyncadd.s32 $0xFFFFC000  }
0x41: {  	[hbm4b:s1+s2] =	stream.linear.scatter [tilespmem:s16], [sflag:$0x5], $0x4000, $0x38;
	[tilespmem:$0x1C800] =	vst v63  }
0x42: {  	_ =	swait.ge [sflag:s23], $0x4000  }
0x43: {  	[sflag:s23] =	ssyncset.done $0x0  }
0x44: {  	s18 =	sadd.s32 $0x0, s12;
	[sflag:s23] =	ssyncadd.s32 $0xFFFFC000  }
0x45: {  	[hbm4b:s18+s2] =	stream.linear.scatter [tilespmem:s17], [sflag:$0x6], $0x4000, $0x38;
	[tilespmem:$0x1C800] =	vst v63  }
0x46: {  	_ =	swait.ge [sflag:s24], $0x4000  }
0x47: {  	[sflag:s24] =	ssyncset.done $0x0  }
0x48: {  	s20 =	sadd.s32 $0x0, s11;
	[sflag:s24] =	ssyncadd.s32 $0xFFFFC000  }
0x49: {  	[hbm4b:s20+s2] =	stream.linear.scatter [tilespmem:s19], [sflag:$0x7], $0x4000, $0x38;
	[tilespmem:$0x1C800] =	vst v63  }
0x4a: {  	_ =	swait.ge [sflag:s25], $0x4000  }
0x4b: {  	s0 =	simm.s32 $0x800;
	[sflag:s25] =	ssyncset.done $0x0  }
0x4c: {  	s1 =	simm.s32 $0x2000;
	s18 =	sadd.s32 $0x0, s13;
	[sflag:s25] =	ssyncadd.s32 $0xFFFFC000  }
.LBB2_2:
0x4d: {  	[hbm4b:s18+s2] =	stream.linear.scatter [tilespmem:s21], [sflag:$0x8], $0x4000, $0x38;
	[tilespmem:$0x1C800] =	vst v63  }
0x4e: {  	s18 =	smov.u32 s1  }
0x4f: {  	p0 =	sne.s32 s1, $0x60000;
	s1 =	sadd.s32 $0x2000, s1;
	_ =	swait.ge [sflag:s26], $0x4000  }
0x50: {  	[sflag:s26] =	ssyncset.done $0x0  }
0x51: {  	[sflag:s26] =	ssyncadd.s32 $0xFFFFC000  }
0x52: {  	[tilespmem:s16], [sflag:$0x1] =	stream.indirect.gather [hbm4b:s3+s15], $0x40, s0, s15, $0xb8;
	[tilespmem:$0x1C800] =	vst v63  }
0x53: {  	_ =	swait.ge [sflag:s28], $0x4000  }
0x54: {  	[sflag:s28] =	ssyncset.done $0x0  }
0x55: {  	s20 =	sadd.s32 $0x100, s0;
	[sflag:s28] =	ssyncadd.s32 $0xFFFFC000  }
0x56: {  	[tilespmem:s17], [sflag:$0x2] =	stream.indirect.gather [hbm4b:s3+s15], $0x40, s20, s15, $0xb8;
	[tilespmem:$0x1C800] =	vst v63  }
0x57: {  	_ =	swait.ge [sflag:s29], $0x4000  }
0x58: {  	[sflag:s29] =	ssyncset.done $0x0  }
0x59: {  	s20 =	sadd.s32 $0x200, s0;
	[sflag:s29] =	ssyncadd.s32 $0xFFFFC000  }
0x5a: {  	[tilespmem:s19], [sflag:$0x3] =	stream.indirect.gather [hbm4b:s3+s15], $0x40, s20, s15, $0xb8;
	[tilespmem:$0x1C800] =	vst v63  }
0x5b: {  	_ =	swait.ge [sflag:s30], $0x4000  }
0x5c: {  	[sflag:s30] =	ssyncset.done $0x0  }
0x5d: {  	s20 =	sadd.s32 $0x300, s0;
	[sflag:s30] =	ssyncadd.s32 $0xFFFFC000  }
0x5e: {  	[tilespmem:s21], [sflag:$0x4] =	stream.indirect.gather [hbm4b:s3+s15], $0x40, s20, s15, $0xb8;
	[tilespmem:$0x1C800] =	vst v63  }
0x5f: {  	_ =	swait.ge [sflag:s22], $0x4000  }
0x60: {  	[sflag:s22] =	ssyncset.done $0x0  }
0x61: {  	s20 =	sadd.s32 s18, s10;
	[sflag:s22] =	ssyncadd.s32 $0xFFFFC000  }
0x62: {  	[hbm4b:s20+s2] =	stream.linear.scatter [tilespmem:s16], [sflag:$0x5], $0x4000, $0x38;
	[tilespmem:$0x1C800] =	vst v63  }
0x63: {  	_ =	swait.ge [sflag:s23], $0x4000  }
0x64: {  	[sflag:s23] =	ssyncset.done $0x0  }
0x65: {  	s20 =	sadd.s32 s18, s12;
	[sflag:s23] =	ssyncadd.s32 $0xFFFFC000  }
0x66: {  	[hbm4b:s20+s2] =	stream.linear.scatter [tilespmem:s17], [sflag:$0x6], $0x4000, $0x38;
	[tilespmem:$0x1C800] =	vst v63  }
0x67: {  	_ =	swait.ge [sflag:s24], $0x4000  }
0x68: {  	[sflag:s24] =	ssyncset.done $0x0  }
.Ltmp0:
0x69: {  	s20 =	sadd.s32 s18, s11;
	[sflag:s24] =	ssyncadd.s32 $0xFFFFC000;
	(pc) =	sbr.rel @p0 .LBB2_2-.Ltmp0, $4  }
0x6a: {  	[hbm4b:s20+s2] =	stream.linear.scatter [tilespmem:s19], [sflag:$0x7], $0x4000, $0x38;
	[tilespmem:$0x1C800] =	vst v63  }
0x6b: {  	_ =	swait.ge [sflag:s25], $0x4000  }
0x6c: {  	[sflag:s25] =	ssyncset.done $0x0  }
0x6d: {  	s0 =	sadd.s32 $0x400, s0;
	s18 =	sadd.s32 s18, s13;
	[sflag:s25] =	ssyncadd.s32 $0xFFFFC000  }
0x6e: {  	[hbm4b:s18+s2] =	stream.linear.scatter [tilespmem:s21], [sflag:$0x8], $0x4000, $0x38;
	[tilespmem:$0x1C800] =	vst v63  }
0x6f: {  	_ =	swait.ge [sflag:s26], $0x4000  }
0x70: {  	[sflag:s26] =	ssyncset.done $0x0  }
0x71: {  	[sflag:s26] =	ssyncadd.s32 $0xFFFFC000  }
0x72: {  	_ =	swait.ge [sflag:s28], $0x4000  }
0x73: {  	[sflag:s28] =	ssyncset.done $0x0  }
0x74: {  	s31 =	sadd.s32 $0x1, s31;
	[sflag:s28] =	ssyncadd.s32 $0xFFFFC000  }
0x75: {  	p0 =	sne.s32 s31, s9;
	_ =	swait.ge [sflag:s29], $0x4000  }
.Ltmp1:
0x76: {  	[sflag:s29] =	ssyncset.done $0x0;
	(pc) =	sbr.rel @p0 .LBB2_1-.Ltmp1, $4  }
0x77: {  	[sflag:s29] =	ssyncadd.s32 $0xFFFFC000  }
0x78: {  	_ =	swait.ge [sflag:s30], $0x4000  }
0x79: {  	[sflag:s30] =	ssyncset.done $0x0  }
0x7a: {  	[sflag:s30] =	ssyncadd.s32 $0xFFFFC000  }
0x7b: {  	_ =	sfence.sel $0x180000  }
0x7c: {  	[bflag:$0x0] =	sbarrier.arrive $0xFFFF  }
0x7d: {  	_ =	strace $0x90000047  }
0x7e: {  	s0 =	stileid.u32;
	[bflag:$0x2] =	sbarrier.arrive $0xFFFF  }
0x7f: {  	p0 =	sne.s32 s0, $0x0;
	s0 =	rddreg [dreg:$0x2]  }
0x80: {  	s0 =	sadd.s32 @!p0 $0x100000, s0  }
0x81: {  	[sflag:s0] =	ssyncadd.tile.s32 @!p0 $0x1;
	_ =	shalt  }
.Lfunc_end2:
_tile_overlayer_lowered:
.L_overlay_start_2:
0x82: {  	(tag) =	ssettag $0x2  }
0x83: {  	s0 =	rddreg [dreg:$0x0];
	s2 =	stileid.u32  }
0x84: {  	s1 =	rddreg [dreg:$0x1];
	p0 =	sne.s32 s2, $0x0  }
0x85: {  	s3 =	rddreg [dreg:$0x2];
	[bflag:$0x3] =	sbarrier.arrive $0xFFFF;
	s2 =	simm.s32 @!p0 $0x1C09  }
0x86: {  	[timem:s3], [sflag:s2] =	dma.local @!p0 [hbm:s0], s1  }
0x87: {  	s0 =	simm.s32 @!p0 $0x9  }
0x88: {  	_ =	swait.ge @!p0 [sflag:s0], s1  }
0x89: {  	s1 =	ssub.s32 @!p0 $0x0, s1;
	[sflag:s0] =	ssyncset.done @!p0 $0x0  }
0x8a: {  	[sflag:s0] =	ssyncadd.s32 @!p0 s1  }
0x8b: {  	[bflag:$0x3] =	sbarrier.arrive $0xFFFF  }
0x8c: {  	_ =	shalt  }

// kernel: sparse-core-data-format-call.cloned.1.call-start
scs
called_computation_lowered:
.L_overlay_start_0:
0x0: {  	s2 =	sld [smem:$0x3FD9]  }
0x1: {  	s3 =	sld [smem:$0x3FFE];
	_ =	sdelay $0x1  }
0x2: {  	s1 =	srdreg.scid  }
0x3: {  	s0 =	sand.u32 $0x1, s1  }
0x4: {  	s18 =	sshll.u32 s0, $0xA;
	s2 =	sadd.s32 s3, s2  }
0x5: {  	s2 =	sadd.s32 s2, s18  }
0x6: {  	[smem:$0x3FC6] =	sst s2  }
0x7: {  	_ = 	snop  }
0x8: {  	s2 =	sld [smem:$0x3FD0];
	(tm) =	ssettm $0x1  }
0x9: {  	s19 =	sld [smem:$0x3FFB];
	_ =	sdelay $0x3  }
0xa: {  	_ =	strace s19  }
0xb: {  	s3 =	sld [smem:$0x3FFC];
	_ =	sdelay $0x3  }
0xc: {  	_ =	strace s3  }
0xd: {  	s3 =	sld [smem:$0x3FFD];
	_ =	sdelay $0x3  }
0xe: {  	_ =	strace s3  }
0xf: {  	_ =	strace $0x8FFFFFFF  }
0x10: {  	s20 =	sld [smem:$0x3FDB];
	_ =	sdelay $0x1  }
0x11: {  	s4 =	simm.s32 $_scs_section_size  }
0x12: {  	s5 =	simm.s32 $_size__tile_overlayer_lowered;
	s6 =	simm.s32 $_tile_overlayer_lowered  }
0x13: {  	s23 =	simm.s32 $0x1BFF;
	s22 =	sshll.u32 s6, $0x1;
	s3 =	sadd.s32 s4, s20  }
0x14: {  	s7 =	simm.s32 $0x0;
	s21 =	sshll.u32 s5, $0x1;
	s5 =	sadd.s32 s22, s3  }
0x15: {  	[timem:s7], [sflag:s23] =	dma.local [hbm:s5], s21  }
0x16: {  	_ =	swait.ge [sflag:s23], s21  }
0x17: {  	s4 =	ssub.s32 $0x0, s21;
	[sflag:s23] =	ssyncset.done $0x0  }
0x18: {  	[sflag:s23] =	ssyncadd.s32 s4;
	_ =	sdelay $0x1  }
0x19: {  	s24 =	simm.s32 $0x1B8B  }
0x1a: {  	_ =	swait.ge [sflag:s24], $0x1  }
0x1b: {  	[sflag:s24] =	ssyncset.done $0x0  }
0x1c: {  	s26 =	simm.s32 $0x1B8E;
	s25 =	sld [smem:$0x3FFE];
	[sflag:s24] =	ssyncadd.s32 $0xFFFFFFFF  }
0x1d: {  	s27 =	simm.s32 $execute0_lowered;
	[smem:$0x3FD2] =	sst s26  }
0x1e: {  	s5 =	sshll.u32 s27, $0x1;
	_ =	strace $0x80000049;
	[dreg:$0x1] =	wrdreg $0xFFFFFFFF  }
0x1f: {  	s28 =	simm.s32 $_size_execute0_lowered;
	s3 =	sadd.s32 s3, s5;
	[dreg:$0x0] =	wrdreg $0x0  }
0x20: {  	s5 =	sshll.u32 s28, $0x1;
	[dreg:$0x2] =	wrdreg s3  }
0x21: {  	[dreg:$0x3] =	wrdreg s5  }
0x22: {  	[dreg:$0x4] =	wrdreg $0xC0  }
0x23: {  	_ =	task [dreg:s7], $0x5FFFF  }
0x24: {  	[dreg:$0x1] =	wrdreg $0xFFFFFFFF  }
0x25: {  	[dreg:$0x0] =	wrdreg $0x60  }
0x26: {  	[dreg:$0x2] =	wrdreg s25  }
0x27: {  	[dreg:$0x3] =	wrdreg s2  }
0x28: {  	[dreg:$0x4] =	wrdreg $0x9  }
0x29: {  	_ =	task.clear_ibuf [dreg:s7], $0x5FFFF;
	_ =	strace $0x90000049  }
0x2a: {  	s29 =	simm.s32 $0x9;
	_ =	strace $0x8000004B  }
0x2b: {  	_ =	swait.ge [sflag:s29], $0x1  }
0x2c: {  	[sflag:s29] =	ssyncadd.s32 $0xFFFFFFFF  }
0x2d: {  	_ =	strace $0x9000004B  }
0x2e: {  	_ =	sfence  }
0x2f: {  	s30 =	sld [smem:$0x0];
	_ =	sdelay $0x2  }
0x30: {  	s31 =	sshll.u32 s1, $0xD;
	s1 =	sshrl.u32 s1, $0x2  }
0x31: {  	s3 =	sand.u32 $0x4000, s31;
	s1 =	sadd.s32 s1, s30  }
0x32: {  	s0 =	sor.u32 s3, s0;
	s1 =	sshll.u32 s1, $0x11  }
0x33: {  	s0 =	sor.u32 s1, s0  }
0x34: {  	s0 =	sadd.s32 $0x8F2B, s0  }
0x35: {  	[sflag:s0] =	ssyncadd.remote.s32 $0x1  }
0x36: {  	_ =	sfence.sel $0xFFFF  }
0x37: {  	[dreg:$0x0] =	wrdreg $0xFFFFFFFF;
	(pc) =	sbr.abs _section_cstart, $3  }
0x38: {  	[dreg:$0x1] =	wrdreg $0xFFFFFFFF  }
0x39: {  	_ =	task.clear_ibuf [dreg:s7], $0x2FFFF;
	_ =	strace $0x9FFFFFFF  }
0x3a: {  	(tm) =	ssettm $0x7FFFFFFF  }
0x3b: {  	_ =	shalt  }
tec
execute0_lowered:
.L_overlay_start_1:
0x0: {  	(tag) =	ssettag $0x1  }
0x1: {  	s0 =	srdreg.scid  }
0x2: {  	s1 =	sshll.u32 s0, $0x4  }
0x3: {  	s4 =	rddreg [dreg:$0x0];
	s0 =	stileid.u32;
	s1 =	sand.u32 $0x10, s1  }
0x4: {  	s2 =	rddreg [dreg:$0x1];
	s7 =	simm.s32 $0x1;
	s1 =	sor.u32 s0, s1  }
0x5: {  	s8 =	simm.s32 $0x2;
	s11 =	simm.s32 $0x0;
	s3 =	sshll.u32 s1, $0x7  }
0x6: {  	s10 =	simm.s32 $0x0;
	s4 =	sadd.s32 $0x800, s4;
	s6 =	ssub.s32 $0x190000, s3  }
.Ltmp0:
0x7: {  	s1 =	rddreg [dreg:$0x2];
	s5 =	sand.u32 $0xF80, s6;
	(pc) =	sbr.rel .LBB1_1-.Ltmp0, $4  }
0x8: {  	_ =	strace $0x8000004A;
	s9 =	smov.u32 s3;
	p0 =	sne.s32 s5, $0x0  }
0x9: {  	s6 =	sshrl.u32 s6, $0xC;
	s5 =	simm.s32 $0x1;
	s7 =	simm.s32 @!p0 $0x0  }
0xa: {  	[sflag:s5] =	ssyncpa.u1 $0x0;
	p0 =	por $0x0, $0x0;
	s6 =	sadd.s32 s7, s6  }
0xb: {  	[sflag:s8] =	ssyncpa.u1 $0x0;
	s8 =	simm.s32 $0xC80000;
	s7 =	sadd.s32 $0x1, s6  }
.LBB1_4:
0xc: {  	s14 =	sshll.u32 s11, $0x3  }
0xd: {  	s30 =	sand.u32 $0x7F, s11;
	s15 =	sand.u32 $0xFFFFFC00, s14  }
0xe: {  	s11 =	sor.u32 s30, s15  }
0xf: {  	s15 =	smulhi.u32 $0x51EB851F, s11  }
0x10: {  	s14 =	smulhi.u32 $0x51EB851F, s14  }
0x11: {  	s15 =	sshrl.u32 s15, $0x13  }
0x12: {  	s14 =	sshrl.u32 s14, $0x13;
	s15 =	smul.u32 $0x190000, s15  }
0x13: {  	s14 =	sand.u32 $0x3F, s14  }
0x14: {  	s14 =	smul.u32 $0x32000, s14;
	s11 =	ssub.s32 s11, s15  }
0x15: {  	[tilespmem:s13+$0x810 ss:$0x81] =	vst.msk $0xffff, v2;
	s15 =	sand.u32 $0x7, s11  }
0x16: {  	[tilespmem:s13+$0x1020 ss:$0x81] =	vst.msk $0xffff, v0;
	s14 =	sadd.s32 s2, s14;
	s11 =	sshrl.u32 s11, $0x3;
	s15 =	sshll.u32 s15, $0x12  }
0x17: {  	[tilespmem:s13+$0x0 ss:$0x81] =	vst.msk $0xffff, v1;
	s11 =	sadd.s32 s11, s14;
	s31 =	sor.u32 $0x400, s15  }
0x18: {  	[hbm4b:s11+s31] =	stream.strided.scatter [tilespmem:s12], [sflag:$0x2], $0x2000, s8, s31, $0x20;
	[tilespmem:$0x8080] =	vst v63  }
.LBB1_5:
0x19: {  	s13 =	sadd.s32 $0x1000, s9  }
0x1a: {  	p2 =	sgt.s32 s13, $0x18FFFF  }
0x1b: {  	s13 =	smov.u32 @p2 s3;
	p2 =	sne.s32 s10, s7  }
.Ltmp1:
0x1c: {  	p1 =	slt.u32 s10, $0x2;
	(pc) =	sbr.rel @!p2 .LBB1_6-.Ltmp1, $4  }
0x1d: {  	s12 =	simm.s32 @!p1 $0x2  }
0x1e: {  	s14 =	sadd.s32 $0x1, s10;
	_ =	swait.ge @!p1 [sflag:s12], $0x2000  }
0x1f: {  	s11 =	smov.u32 s9;
	p0 =	por !p0, !p0;
	[sflag:s12] =	ssyncset.done @!p1 $0x0  }
0x20: {  	s10 =	smov.u32 s14;
	s9 =	smov.u32 s13;
	[sflag:s12] =	ssyncadd.s32 @!p1 $0xFFFFE000  }
.LBB1_1:
0x21: {  	p1 =	sge.u32 s10, s6  }
0x22: {  	s12 =	sand.u32 @!p1 $0x1FFFFFF, s9  }
0x23: {  	s13 =	smulhi.u32 @!p1 $0x147AE15, s12;
	_ =	sdelay $0x1  }
0x24: {  	s13 =	sshrl.u32 @!p1 s13, $0xD  }
0x25: {  	s13 =	smul.u32 @!p1 $0x190000, s13;
	_ =	sdelay $0x1  }
0x26: {  	s31 =	sadd.s32 $0xFFFFFFFF, s10;
	s14 =	sxor.u32 @!p1 $0xFFFFFFFF, s10;
	s12 =	ssub.s32 @!p1 s12, s13  }
0x27: {  	s15 =	simm.s32 @!p1 $0x80;
	s14 =	sshll.u32 @!p1 s14, $0xD;
	s12 =	sshll.u32 @!p1 s12, $0x4  }
0x28: {  	s13 =	sand.u32 @!p1 $0x2000, s14;
	s14 =	simm.s32 @!p1 $0x40;
	s12 =	sadd.s32 @!p1 s4, s12  }
0x29: {  	[tilespmem:s13], [sflag:$0x1] =	stream.strided.gather @!p1 [hbm4b:s12+s14], $0x2000, s15, s14, $0x38;
	[tilespmem:$0x8080] =	vst v63  }
0x2a: {  	p1 =	sge.u32 s31, s6  }
.Ltmp2:
0x2b: {  	_ = 	snop;
	(pc) =	sbr.rel @p1 .LBB1_5-.Ltmp2, $1  }
0x2c: {  	_ =	sdelay $0x3  }
0x2d: {  	s12 =	simm.s32 $0x1  }
0x2e: {  	_ =	swait.ge [sflag:s5], $0x2000;
	s12 =	simm.s32 @!p0 $0x0  }
0x2f: {  	[sflag:s5] =	ssyncset.done $0x0;
	s13 =	sshll.u32 s12, $0xD  }
0x30: {  	[sflag:s5] =	ssyncadd.s32 $0xFFFFE000;
	s16 =	sor.u32 $0x20, s13  }
0x31: {  	s12 =	smul.u32 $0x8100, s12;
	v3 =	vld [tilespmem:s16+$0x10]  }
0x32: {  	s30 =	sand.u32 $0x1, s10;
	v2 =	vld [tilespmem:s16+$0xFFFFFFF0]  }
0x33: {  	s13 =	smul.u32 $0x8100, s30;
	s12 =	sshrl.u32 s12, $0x2;
	v0 =	vld [tilespmem:s16+$0x0]  }
0x34: {  	v1 =	vld [tilespmem:s16+$0xFFFFFFE0];
	s14 =	sor.u32 $0x4000, s12  }
0x35: {  	s31 =	sshrl.u32 s13, $0x2;
	s13 =	sadd.s32 $0x0, s14  }
0x36: {  	s15 =	simm.s32 $0x4;
	s16 =	sadd.s32 $0x40, s16;
	s12 =	sor.u32 $0x4000, s31;
	[tilespmem:s13+$0x1830 ss:$0x81] =	vst.msk $0xffff, v3  }
.LBB1_3:
0x37: {  	v3 =	vld [tilespmem:s16+$0x10];
	p1 =	sne.s32 s15, $0x1FC;
	[tilespmem:s13+$0x810 ss:$0x81] =	vst.msk $0xffff, v2;
	s17 =	smov.u32 s15;
	s15 =	sadd.s32 $0x4, s15  }
.Ltmp3:
0x38: {  	v2 =	vld [tilespmem:s16+$0xFFFFFFF0];
	[tilespmem:s13+$0x1020 ss:$0x81] =	vst.msk $0xffff, v0;
	(pc) =	sbr.rel @p1 .LBB1_3-.Ltmp3, $4  }
0x39: {  	v0 =	vld [tilespmem:s16+$0x0];
	[tilespmem:s13+$0x0 ss:$0x81] =	vst.msk $0xffff, v1  }
0x3a: {  	s13 =	sshra.s32 s17, $0x2;
	v1 =	vld [tilespmem:s16+$0xFFFFFFE0]  }
0x3b: {  	s13 =	sadd.s32 s13, s14  }
0x3c: {  	s16 =	sadd.s32 $0x40, s16;
	[tilespmem:s13+$0x1830 ss:$0x81] =	vst.msk $0xffff, v3  }
.Ltmp4:
0x3d: {  	_ = 	snop;
	(pc) =	sbr.rel .LBB1_4-.Ltmp4, $1  }
0x3e: {  	_ =	sdelay $0x3  }
.LBB1_6:
0x3f: {  	_ =	sfence.sel $0x180000  }
0x40: {  	s2 =	simm.s32 $0x1;
	[bflag:$0x0] =	sbarrier.arrive $0xFFFF  }
0x41: {  	s31 =	simm.s32 $0x2;
	[sflag:s2] =	ssyncpa.u1 $0x1  }
0x42: {  	[sflag:s31] =	ssyncpa.u1 $0x1  }
0x43: {  	p0 =	sne.s32 s0, $0x0;
	_ =	strace $0x9000004A  }
0x44: {  	s0 =	sadd.s32 @!p0 $0x100000, s1;
	[bflag:$0x2] =	sbarrier.arrive $0xFFFF  }
0x45: {  	[sflag:s0] =	ssyncadd.tile.s32 @!p0 $0x1;
	_ =	shalt  }
.Lfunc_end1:
_tile_overlayer_lowered:
.L_overlay_start_2:
0x46: {  	(tag) =	ssettag $0x2  }
0x47: {  	s0 =	rddreg [dreg:$0x0];
	s2 =	stileid.u32  }
0x48: {  	s1 =	rddreg [dreg:$0x1];
	p0 =	sne.s32 s2, $0x0  }
0x49: {  	s3 =	rddreg [dreg:$0x2];
	[bflag:$0x3] =	sbarrier.arrive $0xFFFF;
	s2 =	simm.s32 @!p0 $0x1C01  }
0x4a: {  	[timem:s3], [sflag:s2] =	dma.local @!p0 [hbm:s0], s1  }
0x4b: {  	s0 =	simm.s32 @!p0 $0x1  }
0x4c: {  	_ =	swait.ge @!p0 [sflag:s0], s1  }
0x4d: {  	s1 =	ssub.s32 @!p0 $0x0, s1;
	[sflag:s0] =	ssyncset.done @!p0 $0x0  }
0x4e: {  	[sflag:s0] =	ssyncadd.s32 @!p0 s1  }
0x4f: {  	[bflag:$0x3] =	sbarrier.arrive $0xFFFF  }
0x50: {  	_ =	shalt  }

</sc_bundles>
